<compile_context>
chip_gen: v7x
topology: tpu7x:2x2x1
jax: 0.10.2.dev20260603
libtpu: 0.0.44.dev20260713+nightly
codegen_flags: <defaults>
</compile_context>

<pallas_src>
import dataclasses

import jax
import jax.numpy as jnp
import numpy as np
from jax import lax
from jax.experimental import pallas as pl
from jax.experimental.pallas import tpu as pltpu
from jax.experimental.pallas import tpu_sc as plsc

ROWS = 128
N = 32768
L = 16
NUM_WORKERS = 32
ROWS_PER_WORKER = ROWS // NUM_WORKERS

DIGIT_BITS = (11, 11, 10)
NBINS = 2048

_MIN_I32 = np.int32(-(2**31))


def _flip(v):
    return v ^ (lax.shift_right_arithmetic(v, 31) | _MIN_I32)


def _digit(f, p):
    shift = sum(DIGIT_BITS[:p])
    mask = (1 << DIGIT_BITS[p]) - 1
    d = f if shift == 0 else lax.shift_right_logical(f, shift)
    return d & mask


def _sort_body(x_hbm, vals_hbm, idx_hbm, keys, pa, pb, h0, h1, h2,
               sem_in, sem_v, sem_i):
    wid = lax.axis_index("s") * 2 + lax.axis_index("c")
    hists = (h0, h1, h2)
    row0 = wid * ROWS_PER_WORKER

    pltpu.async_copy(x_hbm.at[row0], keys, sem_in)

    @pl.loop(0, ROWS_PER_WORKER)
    def _row(r):
        row = row0 + r

        @pl.loop(0, NBINS, step=L)
        def _zero(h):
            z = jnp.zeros((L,), jnp.int32)
            h0[pl.ds(h, L)] = z
            h1[pl.ds(h, L)] = z

        @pl.loop(0, NBINS // 2, step=L)
        def _zero2(h):
            h2[pl.ds(h, L)] = jnp.zeros((L,), jnp.int32)

        pltpu.make_async_copy(x_hbm.at[row], keys, sem_in).wait()

        def _digs(j):
            f = _flip(keys[pl.ds(j, L)])
            keys[pl.ds(j, L)] = f
            return _digit(f, 0), _digit(f, 1), _digit(f, 2)

        def _hist_upd(digs, cls):
            for hr, d, (cnt, last) in zip(hists, digs, cls):
                plsc.addupdate_scatter(hr, [d], cnt, mask=last)

        digs0 = _digs(0)

        @pl.loop(0, N - L, step=L, init_carry=digs0)
        def _hist(j, digs):
            cls = [plsc.scan_count(d) for d in digs]
            nxt = _digs(j + L)
            _hist_upd(digs, cls)
            return nxt

        _hist_upd(_hist, [plsc.scan_count(d) for d in _hist])

        for p in range(3):
            src, dst = ((None, pa), (pa, pb), (pb, pa))[p]
            hist = hists[p]
            nb = NBINS if p < 2 else NBINS // 2

            if p < 2:
                @pl.when(r > 0)
                def _drain():
                    prev = row - 1
                    if p == 0:
                        pltpu.make_async_copy(pa, idx_hbm.at[prev], sem_i).wait()
                    else:
                        pltpu.make_async_copy(pb, vals_hbm.at[prev], sem_v).wait()

            @pl.loop(0, nb, step=L, init_carry=np.int32(0))
            def _scan(h, carry):
                v = hist[pl.ds(h, L)]
                c = plsc.cumsum(v)
                hist[pl.ds(h, L)] = c - v + carry
                return carry + jnp.sum(v)

            def _sval_dig(j):
                if p == 0:
                    pay = lax.iota(jnp.int32, L) + j
                    f = keys[pl.ds(j, L)]
                    return pay | ((_digit(f, 1)) << 15), _digit(f, 0)
                packed = src[pl.ds(j, L)]
                pay = packed & 0x7FFF
                dig = lax.shift_right_logical(packed, 15)
                if p == 1:
                    f = plsc.load_gather(keys, [pay])
                    return pay | (_digit(f, 2) << 15), dig
                return pay, dig

            def _scatter(sval, dig, cnt, last):
                base = plsc.load_gather(hist, [dig])
                plsc.store_scatter(dst, [base + cnt - 1], sval)
                plsc.addupdate_scatter(hist, [dig], cnt, mask=last)

            sd0 = _sval_dig(0)

            @pl.loop(0, N - L, step=L, init_carry=sd0)
            def _perm(j, carry):
                sval, dig = carry
                cnt, last = plsc.scan_count(dig)
                nxt = _sval_dig(j + L)
                _scatter(sval, dig, cnt, last)
                return nxt

            svalf, digf = _perm
            cntf, lastf = plsc.scan_count(digf)
            _scatter(svalf, digf, cntf, lastf)

        @pl.loop(0, N, step=L)
        def _vals(j):
            pay = pa[pl.ds(j, L)]
            k = plsc.load_gather(keys, [pay])
            m = (~lax.shift_right_arithmetic(k, 31)) | _MIN_I32
            pb[pl.ds(j, L)] = k ^ m

        pltpu.async_copy(pb, vals_hbm.at[row], sem_v)
        pltpu.async_copy(pa, idx_hbm.at[row], sem_i)

        @pl.when(r < ROWS_PER_WORKER - 1)
        def _next_in():
            pltpu.async_copy(x_hbm.at[row + 1], keys, sem_in)

    last = row0 + ROWS_PER_WORKER - 1
    pltpu.make_async_copy(pb, vals_hbm.at[last], sem_v).wait()
    pltpu.make_async_copy(pa, idx_hbm.at[last], sem_i).wait()


@jax.jit
def kernel(x):
    xi = lax.bitcast_convert_type(x, jnp.int32)
    mesh = plsc.VectorSubcoreMesh(core_axis_name="c", subcore_axis_name="s")
    cp = pltpu.CompilerParams()
    if "needs_layout_passes" in pltpu.CompilerParams.__dataclass_fields__:
        cp = dataclasses.replace(cp, needs_layout_passes=False)
    f = pl.kernel(
        _sort_body,
        out_type=(
            jax.ShapeDtypeStruct((ROWS, N), jnp.int32),
            jax.ShapeDtypeStruct((ROWS, N), jnp.int32),
        ),
        mesh=mesh,
        scratch_types=[
            pltpu.VMEM((N,), jnp.int32),
            pltpu.VMEM((N,), jnp.int32),
            pltpu.VMEM((N,), jnp.int32),
            pltpu.VMEM((NBINS,), jnp.int32),
            pltpu.VMEM((NBINS,), jnp.int32),
            pltpu.VMEM((NBINS // 2,), jnp.int32),
            pltpu.SemaphoreType.DMA,
            pltpu.SemaphoreType.DMA,
            pltpu.SemaphoreType.DMA,
        ],
        compiler_params=cp,
    )
    vals_i, idx = f(xi)
    return lax.bitcast_convert_type(vals_i, jnp.float32), idx

# --- scband reference (transcript-rebuilt; emitter-appended) ---
"""Pipeline reference for scband-my-model-61933428413810 (READ-ONLY COPY).

The authoritative reference and input builder live on the scoring server;
editing this copy changes nothing except your own understanding.
"""

import jax, jax.numpy as jnp
import numpy as np

def setup_inputs(seed: int = 0) -> dict:
    key = jax.random.key(seed)
    x = jax.random.normal(key, (128, 32768), dtype=jnp.float32)
    return {"x": x}

def reference(x):
    # torch.sort(x) sorts along the last dim and returns (values, indices)
    values = jnp.sort(x, axis=-1)
    indices = jnp.argsort(x, axis=-1)
    return (values, indices)

if __name__ == "__main__":
    import jax
    _d = setup_inputs()
    print(jax.jit(kernel)(*tuple(_d.values())))

</pallas_src>

<mosaic_0001>
#map = affine_map<(d0, d1) -> (0, 0)>
module attributes {stable_mosaic.version = 14 : i64} {
  func.func @_sort_body(%arg0: i32, %arg1: i32, %arg2: memref<128x32768xi32, #tpu.memory_space<hbm>>, %arg3: memref<128x32768xi32, #tpu.memory_space<hbm>>, %arg4: memref<128x32768xi32, #tpu.memory_space<hbm>>, %arg5: memref<32768xi32, #tpu.memory_space<vmem>>, %arg6: memref<32768xi32, #tpu.memory_space<vmem>>, %arg7: memref<32768xi32, #tpu.memory_space<vmem>>, %arg8: memref<2048xi32, #tpu.memory_space<vmem>>, %arg9: memref<2048xi32, #tpu.memory_space<vmem>>, %arg10: memref<1024xi32, #tpu.memory_space<vmem>>, %arg11: memref<!tpu.dma_semaphore, #tpu.memory_space<semaphore_mem>>, %arg12: memref<!tpu.dma_semaphore, #tpu.memory_space<semaphore_mem>>, %arg13: memref<!tpu.dma_semaphore, #tpu.memory_space<semaphore_mem>>) attributes {dimension_semantics = [#tpu.dimension_semantics<core_parallel>, #tpu.dimension_semantics<subcore_parallel>], iteration_bounds = array<i64: 2, 16>, scalar_prefetch = 0 : i64, scratch_operands = 9 : i64, tpu.core_type = #tpu.core_type<sc_vector_subcore>, window_params = [{transform_indices = #map}, {transform_indices = #map}, {transform_indices = #map}]} {
    %mul3A = arith.constant 2 : i32
    %mul3A_0 = arith.muli %arg1, %mul3A : i32
    %add3A = arith.addi %mul3A_0, %arg0 : i32
    %mul3A_1 = arith.constant 4 : i32
    %mul3A_2 = arith.muli %add3A, %mul3A_1 : i32
    %dma_start3A = arith.constant 0 : i32
    %dma_start3A_3 = tpu.memref_slice %arg2[%mul3A_2, %dma_start3A] : memref<128x32768xi32, #tpu.memory_space<hbm>> -> memref<1x32768xi32, #tpu.memory_space<hbm>>
    %dma_start3A_4 = tpu.memref_squeeze %dma_start3A_3 : memref<1x32768xi32, #tpu.memory_space<hbm>> -> memref<32768xi32, #tpu.memory_space<hbm>>
    %dma_start3A_5 = arith.constant 0 : i32
    %dma_start3A_6 = tpu.memref_slice %arg2[%mul3A_2, %dma_start3A_5] : memref<128x32768xi32, #tpu.memory_space<hbm>> -> memref<1x32768xi32, #tpu.memory_space<hbm>>
    %dma_start3A_7 = tpu.memref_squeeze %dma_start3A_6 : memref<1x32768xi32, #tpu.memory_space<hbm>> -> memref<32768xi32, #tpu.memory_space<hbm>>
    tpu.enqueue_dma source(%dma_start3A_7 : memref<32768xi32, #tpu.memory_space<hbm>>) target(%arg5 : memref<32768xi32, #tpu.memory_space<vmem>>) target_semaphore(%arg11 : memref<!tpu.dma_semaphore, #tpu.memory_space<semaphore_mem>>)
    %scan3A = arith.constant 0 : i32
    %scan3A_8 = arith.constant 4 : i32
    %scan3A_9 = arith.addi %scan3A, %scan3A_8 : i32
    %scan3A_10 = arith.constant 1 : i32
    scf.for %scan3A_26 = %scan3A to %scan3A_9 step %scan3A_10  : i32 {
      %mul3A_27 = arith.constant 1 : i32
      %mul3A_28 = arith.muli %scan3A_26, %mul3A_27 : i32
      %add3A_29 = arith.constant 0 : i32
      %add3A_30 = arith.addi %add3A_29, %mul3A_28 : i32
      %add3A_31 = arith.addi %mul3A_2, %add3A_30 : i32
      %scan3A_32 = arith.constant 0 : i32
      %scan3A_33 = arith.constant 128 : i32
      %scan3A_34 = arith.addi %scan3A_32, %scan3A_33 : i32
      %scan3A_35 = arith.constant 1 : i32
      scf.for %scan3A_220 = %scan3A_32 to %scan3A_34 step %scan3A_35  : i32 {
        %mul3A_221 = arith.constant 16 : i32
        %mul3A_222 = arith.muli %scan3A_220, %mul3A_221 : i32
        %add3A_223 = arith.constant 0 : i32
        %add3A_224 = arith.addi %add3A_223, %mul3A_222 : i32
        %broadcast_in_dim3A_225 = arith.constant 0 : i32
        %broadcast_in_dim3A_226 = vector.broadcast %broadcast_in_dim3A_225 : i32 to vector<16xi32>
        %swap3A_227 = arith.index_cast %add3A_224 : i32 to index
        %swap3A_228 = tpu.vector_load %arg8[%swap3A_227] {strides = array<i32>} : memref<2048xi32, #tpu.memory_space<vmem>>, vector<16xi32>,
        tpu.vector_store %arg8[%swap3A_227], %broadcast_in_dim3A_226 {strides = array<i32>} : memref<2048xi32, #tpu.memory_space<vmem>>, vector<16xi32>,
        %swap3A_229 = arith.index_cast %add3A_224 : i32 to index
        %swap3A_230 = tpu.vector_load %arg9[%swap3A_229] {strides = array<i32>} : memref<2048xi32, #tpu.memory_space<vmem>>, vector<16xi32>,
        tpu.vector_store %arg9[%swap3A_229], %broadcast_in_dim3A_226 {strides = array<i32>} : memref<2048xi32, #tpu.memory_space<vmem>>, vector<16xi32>,
      }
      %scan3A_36 = arith.constant 128 : i32
      %scan3A_37 = arith.constant 0 : i32
      %scan3A_38 = arith.constant 64 : i32
      %scan3A_39 = arith.addi %scan3A_37, %scan3A_38 : i32
      %scan3A_40 = arith.constant 1 : i32
      scf.for %scan3A_220 = %scan3A_37 to %scan3A_39 step %scan3A_40  : i32 {
        %mul3A_221 = arith.constant 16 : i32
        %mul3A_222 = arith.muli %scan3A_220, %mul3A_221 : i32
        %add3A_223 = arith.constant 0 : i32
        %add3A_224 = arith.addi %add3A_223, %mul3A_222 : i32
        %broadcast_in_dim3A_225 = arith.constant 0 : i32
        %broadcast_in_dim3A_226 = vector.broadcast %broadcast_in_dim3A_225 : i32 to vector<16xi32>
        %swap3A_227 = arith.index_cast %add3A_224 : i32 to index
        %swap3A_228 = tpu.vector_load %arg10[%swap3A_227] {strides = array<i32>} : memref<1024xi32, #tpu.memory_space<vmem>>, vector<16xi32>,
        tpu.vector_store %arg10[%swap3A_227], %broadcast_in_dim3A_226 {strides = array<i32>} : memref<1024xi32, #tpu.memory_space<vmem>>, vector<16xi32>,
      }
      %scan3A_41 = arith.constant 64 : i32
      %dma_wait3A_42 = arith.constant 0 : i32
      %dma_wait3A_43 = tpu.memref_slice %arg2[%add3A_31, %dma_wait3A_42] : memref<128x32768xi32, #tpu.memory_space<hbm>> -> memref<1x32768xi32, #tpu.memory_space<hbm>>
      %dma_wait3A_44 = tpu.memref_squeeze %dma_wait3A_43 : memref<1x32768xi32, #tpu.memory_space<hbm>> -> memref<32768xi32, #tpu.memory_space<hbm>>
      %dma_wait3A_45 = arith.constant 0 : i32
      %dma_wait3A_46 = tpu.memref_slice %arg2[%add3A_31, %dma_wait3A_45] : memref<128x32768xi32, #tpu.memory_space<hbm>> -> memref<1x32768xi32, #tpu.memory_space<hbm>>
      %dma_wait3A_47 = tpu.memref_squeeze %dma_wait3A_46 : memref<1x32768xi32, #tpu.memory_space<hbm>> -> memref<32768xi32, #tpu.memory_space<hbm>>
      tpu.wait_dma2 semaphore(%arg11 : memref<!tpu.dma_semaphore, #tpu.memory_space<semaphore_mem>>) src(%dma_wait3A_47 : memref<32768xi32, #tpu.memory_space<hbm>>) dst(%arg5 : memref<32768xi32, #tpu.memory_space<vmem>>)
      %get3A = arith.constant 0 : index
      %get3A_48 = tpu.vector_load %arg5[%get3A] {strides = array<i32>} : memref<32768xi32, #tpu.memory_space<vmem>>, vector<16xi32>,
      %shift_right_arithmetic3A = arith.constant 31 : i32
      %shift_right_arithmetic3A_49 = vector.broadcast %shift_right_arithmetic3A : i32 to vector<16xi32>
      %shift_right_arithmetic3A_50 = arith.shrsi %get3A_48, %shift_right_arithmetic3A_49 : vector<16xi32>
      %or3A = arith.constant -2147483648 : i32
      %or3A_51 = vector.broadcast %or3A : i32 to vector<16xi32>
      %or3A_52 = arith.ori %shift_right_arithmetic3A_50, %or3A_51 : vector<16xi32>
      %xor3A = arith.xori %get3A_48, %or3A_52 : vector<16xi32>
      %swap3A = arith.constant 0 : index
      %swap3A_53 = tpu.vector_load %arg5[%swap3A] {strides = array<i32>} : memref<32768xi32, #tpu.memory_space<vmem>>, vector<16xi32>,
      tpu.vector_store %arg5[%swap3A], %xor3A {strides = array<i32>} : memref<32768xi32, #tpu.memory_space<vmem>>, vector<16xi32>,
      %and3A = arith.constant 2047 : i32
      %and3A_54 = vector.broadcast %and3A : i32 to vector<16xi32>
      %and3A_55 = arith.andi %xor3A, %and3A_54 : vector<16xi32>
      %shift_right_logical3A = arith.constant 11 : i32
      %shift_right_logical3A_56 = vector.broadcast %shift_right_logical3A : i32 to vector<16xi32>
      %shift_right_logical3A_57 = arith.shrui %xor3A, %shift_right_logical3A_56 : vector<16xi32>
      %and3A_58 = arith.constant 2047 : i32
      %and3A_59 = vector.broadcast %and3A_58 : i32 to vector<16xi32>
      %and3A_60 = arith.andi %shift_right_logical3A_57, %and3A_59 : vector<16xi32>
      %shift_right_logical3A_61 = arith.constant 22 : i32
      %shift_right_logical3A_62 = vector.broadcast %shift_right_logical3A_61 : i32 to vector<16xi32>
      %shift_right_logical3A_63 = arith.shrui %xor3A, %shift_right_logical3A_62 : vector<16xi32>
      %and3A_64 = arith.constant 1023 : i32
      %and3A_65 = vector.broadcast %and3A_64 : i32 to vector<16xi32>
      %and3A_66 = arith.andi %shift_right_logical3A_63, %and3A_65 : vector<16xi32>
      %scan3A_67 = arith.constant 0 : i32
      %scan3A_68 = arith.constant 2047 : i32
      %scan3A_69 = arith.addi %scan3A_67, %scan3A_68 : i32
      %scan3A_70 = arith.constant 1 : i32
      %scan3A_71:3 = scf.for %scan3A_220 = %scan3A_67 to %scan3A_69 step %scan3A_70 iter_args(%scan3A_221 = %and3A_55, %scan3A_222 = %and3A_60, %scan3A_223 = %and3A_66) -> (vector<16xi32>, vector<16xi32>, vector<16xi32>)  : i32 {
        %mul3A_224 = arith.constant 16 : i32
        %mul3A_225 = arith.muli %scan3A_220, %mul3A_224 : i32
        %add3A_226 = arith.constant 0 : i32
        %add3A_227 = arith.addi %add3A_226, %mul3A_225 : i32
        %broadcast_in_dim3A_228 = arith.constant true
        %broadcast_in_dim3A_229 = vector.broadcast %broadcast_in_dim3A_228 : i1 to vector<16xi1>
        %unique3A_230, %unique3A_231 = tpu.scan_count mask(%broadcast_in_dim3A_229 : vector<16xi1>) value(%scan3A_221 : vector<16xi32>) : vector<16xi1>, vector<16xi32>
        %broadcast_in_dim3A_232 = arith.constant true
        %broadcast_in_dim3A_233 = vector.broadcast %broadcast_in_dim3A_232 : i1 to vector<16xi1>
        %unique3A_234, %unique3A_235 = tpu.scan_count mask(%broadcast_in_dim3A_233 : vector<16xi1>) value(%scan3A_222 : vector<16xi32>) : vector<16xi1>, vector<16xi32>
        %broadcast_in_dim3A_236 = arith.constant true
        %broadcast_in_dim3A_237 = vector.broadcast %broadcast_in_dim3A_236 : i1 to vector<16xi1>
        %unique3A_238, %unique3A_239 = tpu.scan_count mask(%broadcast_in_dim3A_237 : vector<16xi1>) value(%scan3A_223 : vector<16xi32>) : vector<16xi1>, vector<16xi32>
        %add3A_240 = arith.constant 16 : i32
        %add3A_241 = arith.addi %add3A_227, %add3A_240 : i32
        %get3A_242 = arith.index_cast %add3A_241 : i32 to index
        %get3A_243 = tpu.vector_load %arg5[%get3A_242] {strides = array<i32>} : memref<32768xi32, #tpu.memory_space<vmem>>, vector<16xi32>,
        %shift_right_arithmetic3A_244 = arith.constant 31 : i32
        %shift_right_arithmetic3A_245 = vector.broadcast %shift_right_arithmetic3A_244 : i32 to vector<16xi32>
        %shift_right_arithmetic3A_246 = arith.shrsi %get3A_243, %shift_right_arithmetic3A_245 : vector<16xi32>
        %or3A_247 = arith.constant -2147483648 : i32
        %or3A_248 = vector.broadcast %or3A_247 : i32 to vector<16xi32>
        %or3A_249 = arith.ori %shift_right_arithmetic3A_246, %or3A_248 : vector<16xi32>
        %xor3A_250 = arith.xori %get3A_243, %or3A_249 : vector<16xi32>
        %swap3A_251 = arith.index_cast %add3A_241 : i32 to index
        %swap3A_252 = tpu.vector_load %arg5[%swap3A_251] {strides = array<i32>} : memref<32768xi32, #tpu.memory_space<vmem>>, vector<16xi32>,
        tpu.vector_store %arg5[%swap3A_251], %xor3A_250 {strides = array<i32>} : memref<32768xi32, #tpu.memory_space<vmem>>, vector<16xi32>,
        %and3A_253 = arith.constant 2047 : i32
        %and3A_254 = vector.broadcast %and3A_253 : i32 to vector<16xi32>
        %and3A_255 = arith.andi %xor3A_250, %and3A_254 : vector<16xi32>
        %shift_right_logical3A_256 = arith.constant 11 : i32
        %shift_right_logical3A_257 = vector.broadcast %shift_right_logical3A_256 : i32 to vector<16xi32>
        %shift_right_logical3A_258 = arith.shrui %xor3A_250, %shift_right_logical3A_257 : vector<16xi32>
        %and3A_259 = arith.constant 2047 : i32
        %and3A_260 = vector.broadcast %and3A_259 : i32 to vector<16xi32>
        %and3A_261 = arith.andi %shift_right_logical3A_258, %and3A_260 : vector<16xi32>
        %shift_right_logical3A_262 = arith.constant 22 : i32
        %shift_right_logical3A_263 = vector.broadcast %shift_right_logical3A_262 : i32 to vector<16xi32>
        %shift_right_logical3A_264 = arith.shrui %xor3A_250, %shift_right_logical3A_263 : vector<16xi32>
        %and3A_265 = arith.constant 1023 : i32
        %and3A_266 = vector.broadcast %and3A_265 : i32 to vector<16xi32>
        %and3A_267 = arith.andi %shift_right_logical3A_264, %and3A_266 : vector<16xi32>
        tpu.vector_store_idx %arg8[%scan3A_221], %unique3A_231 masked %unique3A_230 {add = true} : memref<2048xi32, #tpu.memory_space<vmem>>[vector<16xi32>], vector<16xi32>, vector<16xi1>
        tpu.vector_store_idx %arg9[%scan3A_222], %unique3A_235 masked %unique3A_234 {add = true} : memref<2048xi32, #tpu.memory_space<vmem>>[vector<16xi32>], vector<16xi32>, vector<16xi1>
        tpu.vector_store_idx %arg10[%scan3A_223], %unique3A_239 masked %unique3A_238 {add = true} : memref<1024xi32, #tpu.memory_space<vmem>>[vector<16xi32>], vector<16xi32>, vector<16xi1>
        scf.yield %and3A_255, %and3A_261, %and3A_267 : vector<16xi32>, vector<16xi32>, vector<16xi32>
      }
      %scan3A_72 = arith.constant 2047 : i32
      %broadcast_in_dim3A = arith.constant true
      %broadcast_in_dim3A_73 = vector.broadcast %broadcast_in_dim3A : i1 to vector<16xi1>
      %unique3A, %unique3A_74 = tpu.scan_count mask(%broadcast_in_dim3A_73 : vector<16xi1>) value(%scan3A_71#0 : vector<16xi32>) : vector<16xi1>, vector<16xi32>
      %broadcast_in_dim3A_75 = arith.constant true
      %broadcast_in_dim3A_76 = vector.broadcast %broadcast_in_dim3A_75 : i1 to vector<16xi1>
      %unique3A_77, %unique3A_78 = tpu.scan_count mask(%broadcast_in_dim3A_76 : vector<16xi1>) value(%scan3A_71#1 : vector<16xi32>) : vector<16xi1>, vector<16xi32>
      %broadcast_in_dim3A_79 = arith.constant true
      %broadcast_in_dim3A_80 = vector.broadcast %broadcast_in_dim3A_79 : i1 to vector<16xi1>
      %unique3A_81, %unique3A_82 = tpu.scan_count mask(%broadcast_in_dim3A_80 : vector<16xi1>) value(%scan3A_71#2 : vector<16xi32>) : vector<16xi1>, vector<16xi32>
      tpu.vector_store_idx %arg8[%scan3A_71#0], %unique3A_74 masked %unique3A {add = true} : memref<2048xi32, #tpu.memory_space<vmem>>[vector<16xi32>], vector<16xi32>, vector<16xi1>
      tpu.vector_store_idx %arg9[%scan3A_71#1], %unique3A_78 masked %unique3A_77 {add = true} : memref<2048xi32, #tpu.memory_space<vmem>>[vector<16xi32>], vector<16xi32>, vector<16xi1>
      tpu.vector_store_idx %arg10[%scan3A_71#2], %unique3A_82 masked %unique3A_81 {add = true} : memref<1024xi32, #tpu.memory_space<vmem>>[vector<16xi32>], vector<16xi32>, vector<16xi1>
      %gt3A = arith.constant 0 : i32
      %gt3A_83 = arith.cmpi sgt, %add3A_30, %gt3A : i32
      %convert_element_type3A = arith.extui %gt3A_83 : i1 to i32
      %cond3A = arith.constant 0 : i32
      %cond3A_84 = arith.cmpi ne, %convert_element_type3A, %cond3A : i32
      scf.if %cond3A_84 {
        %sub3A_220 = arith.constant 1 : i32
        %sub3A_221 = arith.subi %add3A_31, %sub3A_220 : i32
        %dma_wait3A_222 = arith.constant 0 : i32
        %dma_wait3A_223 = tpu.memref_slice %arg4[%sub3A_221, %dma_wait3A_222] : memref<128x32768xi32, #tpu.memory_space<hbm>> -> memref<1x32768xi32, #tpu.memory_space<hbm>>
        %dma_wait3A_224 = tpu.memref_squeeze %dma_wait3A_223 : memref<1x32768xi32, #tpu.memory_space<hbm>> -> memref<32768xi32, #tpu.memory_space<hbm>>
        %dma_wait3A_225 = arith.constant 0 : i32
        %dma_wait3A_226 = tpu.memref_slice %arg4[%sub3A_221, %dma_wait3A_225] : memref<128x32768xi32, #tpu.memory_space<hbm>> -> memref<1x32768xi32, #tpu.memory_space<hbm>>
        %dma_wait3A_227 = tpu.memref_squeeze %dma_wait3A_226 : memref<1x32768xi32, #tpu.memory_space<hbm>> -> memref<32768xi32, #tpu.memory_space<hbm>>
        tpu.wait_dma2 semaphore(%arg13 : memref<!tpu.dma_semaphore, #tpu.memory_space<semaphore_mem>>) src(%arg6 : memref<32768xi32, #tpu.memory_space<vmem>>) dst(%dma_wait3A_227 : memref<32768xi32, #tpu.memory_space<hbm>>)
      } else {
      }
      %scan3A_85 = arith.constant 0 : i32
      %scan3A_86 = arith.constant 0 : i32
      %scan3A_87 = arith.constant 128 : i32
      %scan3A_88 = arith.addi %scan3A_86, %scan3A_87 : i32
      %scan3A_89 = arith.constant 1 : i32
      %scan3A_90 = scf.for %scan3A_220 = %scan3A_86 to %scan3A_88 step %scan3A_89 iter_args(%scan3A_221 = %scan3A_85) -> (i32)  : i32 {
        %mul3A_222 = arith.constant 16 : i32
        %mul3A_223 = arith.muli %scan3A_220, %mul3A_222 : i32
        %add3A_224 = arith.constant 0 : i32
        %add3A_225 = arith.addi %add3A_224, %mul3A_223 : i32
        %get3A_226 = arith.index_cast %add3A_225 : i32 to index
        %get3A_227 = tpu.vector_load %arg8[%get3A_226] {strides = array<i32>} : memref<2048xi32, #tpu.memory_space<vmem>>, vector<16xi32>,
        %broadcast_in_dim3A_228 = arith.constant true
        %broadcast_in_dim3A_229 = vector.broadcast %broadcast_in_dim3A_228 : i1 to vector<16xi1>
        %masked_cumsum3A = tpu.scan <sum>, %get3A_227 masked %broadcast_in_dim3A_229 : vector<16xi32>, vector<16xi1> -> vector<16xi32>
        %sub3A_230 = arith.subi %masked_cumsum3A, %get3A_227 : vector<16xi32>
        %add3A_231 = vector.broadcast %scan3A_221 : i32 to vector<16xi32>
        %add3A_232 = arith.addi %sub3A_230, %add3A_231 : vector<16xi32>
        %swap3A_233 = arith.index_cast %add3A_225 : i32 to index
        %swap3A_234 = tpu.vector_load %arg8[%swap3A_233] {strides = array<i32>} : memref<2048xi32, #tpu.memory_space<vmem>>, vector<16xi32>,
        tpu.vector_store %arg8[%swap3A_233], %add3A_232 {strides = array<i32>} : memref<2048xi32, #tpu.memory_space<vmem>>, vector<16xi32>,
        %reduce_sum3A = arith.constant true
        %reduce_sum3A_235 = vector.broadcast %reduce_sum3A : i1 to vector<16xi1>
        %reduce_sum3A_236 = tpu.scan <sum>, %get3A_227 masked %reduce_sum3A_235 : vector<16xi32>, vector<16xi1> -> vector<16xi32>
        %reduce_sum3A_237 = vector.extract %reduce_sum3A_236[15] : i32 from vector<16xi32>
        %add3A_238 = arith.addi %scan3A_221, %reduce_sum3A_237 : i32
        scf.yield %add3A_238 : i32
      }
      %scan3A_91 = arith.constant 128 : i32
      %iota3A = tpu.iota {dimensions = array<i32: 0>} : vector<16xi32>
      %add3A_92 = arith.constant 0 : i32
      %add3A_93 = vector.broadcast %add3A_92 : i32 to vector<16xi32>
      %add3A_94 = arith.addi %iota3A, %add3A_93 : vector<16xi32>
      %get3A_95 = arith.constant 0 : index
      %get3A_96 = tpu.vector_load %arg5[%get3A_95] {strides = array<i32>} : memref<32768xi32, #tpu.memory_space<vmem>>, vector<16xi32>,
      %shift_right_logical3A_97 = arith.constant 11 : i32
      %shift_right_logical3A_98 = vector.broadcast %shift_right_logical3A_97 : i32 to vector<16xi32>
      %shift_right_logical3A_99 = arith.shrui %get3A_96, %shift_right_logical3A_98 : vector<16xi32>
      %and3A_100 = arith.constant 2047 : i32
      %and3A_101 = vector.broadcast %and3A_100 : i32 to vector<16xi32>
      %and3A_102 = arith.andi %shift_right_logical3A_99, %and3A_101 : vector<16xi32>
      %shift_left3A = arith.constant 15 : i32
      %shift_left3A_103 = vector.broadcast %shift_left3A : i32 to vector<16xi32>
      %shift_left3A_104 = arith.shli %and3A_102, %shift_left3A_103 : vector<16xi32>
      %or3A_105 = arith.ori %add3A_94, %shift_left3A_104 : vector<16xi32>
      %and3A_106 = arith.constant 2047 : i32
      %and3A_107 = vector.broadcast %and3A_106 : i32 to vector<16xi32>
      %and3A_108 = arith.andi %get3A_96, %and3A_107 : vector<16xi32>
      %scan3A_109 = arith.constant 0 : i32
      %scan3A_110 = arith.constant 2047 : i32
      %scan3A_111 = arith.addi %scan3A_109, %scan3A_110 : i32
      %scan3A_112 = arith.constant 1 : i32
      %scan3A_113:2 = scf.for %scan3A_220 = %scan3A_109 to %scan3A_111 step %scan3A_112 iter_args(%scan3A_221 = %or3A_105, %scan3A_222 = %and3A_108) -> (vector<16xi32>, vector<16xi32>)  : i32 {
        %mul3A_223 = arith.constant 16 : i32
        %mul3A_224 = arith.muli %scan3A_220, %mul3A_223 : i32
        %add3A_225 = arith.constant 0 : i32
        %add3A_226 = arith.addi %add3A_225, %mul3A_224 : i32
        %broadcast_in_dim3A_227 = arith.constant true
        %broadcast_in_dim3A_228 = vector.broadcast %broadcast_in_dim3A_227 : i1 to vector<16xi1>
        %unique3A_229, %unique3A_230 = tpu.scan_count mask(%broadcast_in_dim3A_228 : vector<16xi1>) value(%scan3A_222 : vector<16xi32>) : vector<16xi1>, vector<16xi32>
        %add3A_231 = arith.constant 16 : i32
        %add3A_232 = arith.addi %add3A_226, %add3A_231 : i32
        %iota3A_233 = tpu.iota {dimensions = array<i32: 0>} : vector<16xi32>
        %add3A_234 = vector.broadcast %add3A_232 : i32 to vector<16xi32>
        %add3A_235 = arith.addi %iota3A_233, %add3A_234 : vector<16xi32>
        %get3A_236 = arith.index_cast %add3A_232 : i32 to index
        %get3A_237 = tpu.vector_load %arg5[%get3A_236] {strides = array<i32>} : memref<32768xi32, #tpu.memory_space<vmem>>, vector<16xi32>,
        %shift_right_logical3A_238 = arith.constant 11 : i32
        %shift_right_logical3A_239 = vector.broadcast %shift_right_logical3A_238 : i32 to vector<16xi32>
        %shift_right_logical3A_240 = arith.shrui %get3A_237, %shift_right_logical3A_239 : vector<16xi32>
        %and3A_241 = arith.constant 2047 : i32
        %and3A_242 = vector.broadcast %and3A_241 : i32 to vector<16xi32>
        %and3A_243 = arith.andi %shift_right_logical3A_240, %and3A_242 : vector<16xi32>
        %shift_left3A_244 = arith.constant 15 : i32
        %shift_left3A_245 = vector.broadcast %shift_left3A_244 : i32 to vector<16xi32>
        %shift_left3A_246 = arith.shli %and3A_243, %shift_left3A_245 : vector<16xi32>
        %or3A_247 = arith.ori %add3A_235, %shift_left3A_246 : vector<16xi32>
        %and3A_248 = arith.constant 2047 : i32
        %and3A_249 = vector.broadcast %and3A_248 : i32 to vector<16xi32>
        %and3A_250 = arith.andi %get3A_237, %and3A_249 : vector<16xi32>
        %gather3A_251 = tpu.vector_load_idx %arg8[%scan3A_222] : memref<2048xi32, #tpu.memory_space<vmem>>[vector<16xi32>], vector<16xi32>,
        %add3A_252 = arith.addi %gather3A_251, %unique3A_230 : vector<16xi32>
        %sub3A_253 = arith.constant 1 : i32
        %sub3A_254 = vector.broadcast %sub3A_253 : i32 to vector<16xi32>
        %sub3A_255 = arith.subi %add3A_252, %sub3A_254 : vector<16xi32>
        tpu.vector_store_idx %arg6[%sub3A_255], %scan3A_221 : memref<32768xi32, #tpu.memory_space<vmem>>[vector<16xi32>], vector<16xi32>,
        tpu.vector_store_idx %arg8[%scan3A_222], %unique3A_230 masked %unique3A_229 {add = true} : memref<2048xi32, #tpu.memory_space<vmem>>[vector<16xi32>], vector<16xi32>, vector<16xi1>
        scf.yield %or3A_247, %and3A_250 : vector<16xi32>, vector<16xi32>
      }
      %scan3A_114 = arith.constant 2047 : i32
      %broadcast_in_dim3A_115 = arith.constant true
      %broadcast_in_dim3A_116 = vector.broadcast %broadcast_in_dim3A_115 : i1 to vector<16xi1>
      %unique3A_117, %unique3A_118 = tpu.scan_count mask(%broadcast_in_dim3A_116 : vector<16xi1>) value(%scan3A_113#1 : vector<16xi32>) : vector<16xi1>, vector<16xi32>
      %gather3A = tpu.vector_load_idx %arg8[%scan3A_113#1] : memref<2048xi32, #tpu.memory_space<vmem>>[vector<16xi32>], vector<16xi32>,
      %add3A_119 = arith.addi %gather3A, %unique3A_118 : vector<16xi32>
      %sub3A_120 = arith.constant 1 : i32
      %sub3A_121 = vector.broadcast %sub3A_120 : i32 to vector<16xi32>
      %sub3A_122 = arith.subi %add3A_119, %sub3A_121 : vector<16xi32>
      tpu.vector_store_idx %arg6[%sub3A_122], %scan3A_113#0 : memref<32768xi32, #tpu.memory_space<vmem>>[vector<16xi32>], vector<16xi32>,
      tpu.vector_store_idx %arg8[%scan3A_113#1], %unique3A_118 masked %unique3A_117 {add = true} : memref<2048xi32, #tpu.memory_space<vmem>>[vector<16xi32>], vector<16xi32>, vector<16xi1>
      %gt3A_123 = arith.constant 0 : i32
      %gt3A_124 = arith.cmpi sgt, %add3A_30, %gt3A_123 : i32
      %convert_element_type3A_125 = arith.extui %gt3A_124 : i1 to i32
      %cond3A_126 = arith.constant 0 : i32
      %cond3A_127 = arith.cmpi ne, %convert_element_type3A_125, %cond3A_126 : i32
      scf.if %cond3A_127 {
        %sub3A_220 = arith.constant 1 : i32
        %sub3A_221 = arith.subi %add3A_31, %sub3A_220 : i32
        %dma_wait3A_222 = arith.constant 0 : i32
        %dma_wait3A_223 = tpu.memref_slice %arg3[%sub3A_221, %dma_wait3A_222] : memref<128x32768xi32, #tpu.memory_space<hbm>> -> memref<1x32768xi32, #tpu.memory_space<hbm>>
        %dma_wait3A_224 = tpu.memref_squeeze %dma_wait3A_223 : memref<1x32768xi32, #tpu.memory_space<hbm>> -> memref<32768xi32, #tpu.memory_space<hbm>>
        %dma_wait3A_225 = arith.constant 0 : i32
        %dma_wait3A_226 = tpu.memref_slice %arg3[%sub3A_221, %dma_wait3A_225] : memref<128x32768xi32, #tpu.memory_space<hbm>> -> memref<1x32768xi32, #tpu.memory_space<hbm>>
        %dma_wait3A_227 = tpu.memref_squeeze %dma_wait3A_226 : memref<1x32768xi32, #tpu.memory_space<hbm>> -> memref<32768xi32, #tpu.memory_space<hbm>>
        tpu.wait_dma2 semaphore(%arg12 : memref<!tpu.dma_semaphore, #tpu.memory_space<semaphore_mem>>) src(%arg7 : memref<32768xi32, #tpu.memory_space<vmem>>) dst(%dma_wait3A_227 : memref<32768xi32, #tpu.memory_space<hbm>>)
      } else {
      }
      %scan3A_128 = arith.constant 0 : i32
      %scan3A_129 = arith.constant 0 : i32
      %scan3A_130 = arith.constant 128 : i32
      %scan3A_131 = arith.addi %scan3A_129, %scan3A_130 : i32
      %scan3A_132 = arith.constant 1 : i32
      %scan3A_133 = scf.for %scan3A_220 = %scan3A_129 to %scan3A_131 step %scan3A_132 iter_args(%scan3A_221 = %scan3A_128) -> (i32)  : i32 {
        %mul3A_222 = arith.constant 16 : i32
        %mul3A_223 = arith.muli %scan3A_220, %mul3A_222 : i32
        %add3A_224 = arith.constant 0 : i32
        %add3A_225 = arith.addi %add3A_224, %mul3A_223 : i32
        %get3A_226 = arith.index_cast %add3A_225 : i32 to index
        %get3A_227 = tpu.vector_load %arg9[%get3A_226] {strides = array<i32>} : memref<2048xi32, #tpu.memory_space<vmem>>, vector<16xi32>,
        %broadcast_in_dim3A_228 = arith.constant true
        %broadcast_in_dim3A_229 = vector.broadcast %broadcast_in_dim3A_228 : i1 to vector<16xi1>
        %masked_cumsum3A = tpu.scan <sum>, %get3A_227 masked %broadcast_in_dim3A_229 : vector<16xi32>, vector<16xi1> -> vector<16xi32>
        %sub3A_230 = arith.subi %masked_cumsum3A, %get3A_227 : vector<16xi32>
        %add3A_231 = vector.broadcast %scan3A_221 : i32 to vector<16xi32>
        %add3A_232 = arith.addi %sub3A_230, %add3A_231 : vector<16xi32>
        %swap3A_233 = arith.index_cast %add3A_225 : i32 to index
        %swap3A_234 = tpu.vector_load %arg9[%swap3A_233] {strides = array<i32>} : memref<2048xi32, #tpu.memory_space<vmem>>, vector<16xi32>,
        tpu.vector_store %arg9[%swap3A_233], %add3A_232 {strides = array<i32>} : memref<2048xi32, #tpu.memory_space<vmem>>, vector<16xi32>,
        %reduce_sum3A = arith.constant true
        %reduce_sum3A_235 = vector.broadcast %reduce_sum3A : i1 to vector<16xi1>
        %reduce_sum3A_236 = tpu.scan <sum>, %get3A_227 masked %reduce_sum3A_235 : vector<16xi32>, vector<16xi1> -> vector<16xi32>
        %reduce_sum3A_237 = vector.extract %reduce_sum3A_236[15] : i32 from vector<16xi32>
        %add3A_238 = arith.addi %scan3A_221, %reduce_sum3A_237 : i32
        scf.yield %add3A_238 : i32
      }
      %scan3A_134 = arith.constant 128 : i32
      %get3A_135 = arith.constant 0 : index
      %get3A_136 = tpu.vector_load %arg6[%get3A_135] {strides = array<i32>} : memref<32768xi32, #tpu.memory_space<vmem>>, vector<16xi32>,
      %and3A_137 = arith.constant 32767 : i32
      %and3A_138 = vector.broadcast %and3A_137 : i32 to vector<16xi32>
      %and3A_139 = arith.andi %get3A_136, %and3A_138 : vector<16xi32>
      %shift_right_logical3A_140 = arith.constant 15 : i32
      %shift_right_logical3A_141 = vector.broadcast %shift_right_logical3A_140 : i32 to vector<16xi32>
      %shift_right_logical3A_142 = arith.shrui %get3A_136, %shift_right_logical3A_141 : vector<16xi32>
      %gather3A_143 = tpu.vector_load_idx %arg5[%and3A_139] : memref<32768xi32, #tpu.memory_space<vmem>>[vector<16xi32>], vector<16xi32>,
      %shift_right_logical3A_144 = arith.constant 22 : i32
      %shift_right_logical3A_145 = vector.broadcast %shift_right_logical3A_144 : i32 to vector<16xi32>
      %shift_right_logical3A_146 = arith.shrui %gather3A_143, %shift_right_logical3A_145 : vector<16xi32>
      %and3A_147 = arith.constant 1023 : i32
      %and3A_148 = vector.broadcast %and3A_147 : i32 to vector<16xi32>
      %and3A_149 = arith.andi %shift_right_logical3A_146, %and3A_148 : vector<16xi32>
      %shift_left3A_150 = arith.constant 15 : i32
      %shift_left3A_151 = vector.broadcast %shift_left3A_150 : i32 to vector<16xi32>
      %shift_left3A_152 = arith.shli %and3A_149, %shift_left3A_151 : vector<16xi32>
      %or3A_153 = arith.ori %and3A_139, %shift_left3A_152 : vector<16xi32>
      %scan3A_154 = arith.constant 0 : i32
      %scan3A_155 = arith.constant 2047 : i32
      %scan3A_156 = arith.addi %scan3A_154, %scan3A_155 : i32
      %scan3A_157 = arith.constant 1 : i32
      %scan3A_158:2 = scf.for %scan3A_220 = %scan3A_154 to %scan3A_156 step %scan3A_157 iter_args(%scan3A_221 = %or3A_153, %scan3A_222 = %shift_right_logical3A_142) -> (vector<16xi32>, vector<16xi32>)  : i32 {
        %mul3A_223 = arith.constant 16 : i32
        %mul3A_224 = arith.muli %scan3A_220, %mul3A_223 : i32
        %add3A_225 = arith.constant 0 : i32
        %add3A_226 = arith.addi %add3A_225, %mul3A_224 : i32
        %broadcast_in_dim3A_227 = arith.constant true
        %broadcast_in_dim3A_228 = vector.broadcast %broadcast_in_dim3A_227 : i1 to vector<16xi1>
        %unique3A_229, %unique3A_230 = tpu.scan_count mask(%broadcast_in_dim3A_228 : vector<16xi1>) value(%scan3A_222 : vector<16xi32>) : vector<16xi1>, vector<16xi32>
        %add3A_231 = arith.constant 16 : i32
        %add3A_232 = arith.addi %add3A_226, %add3A_231 : i32
        %get3A_233 = arith.index_cast %add3A_232 : i32 to index
        %get3A_234 = tpu.vector_load %arg6[%get3A_233] {strides = array<i32>} : memref<32768xi32, #tpu.memory_space<vmem>>, vector<16xi32>,
        %and3A_235 = arith.constant 32767 : i32
        %and3A_236 = vector.broadcast %and3A_235 : i32 to vector<16xi32>
        %and3A_237 = arith.andi %get3A_234, %and3A_236 : vector<16xi32>
        %shift_right_logical3A_238 = arith.constant 15 : i32
        %shift_right_logical3A_239 = vector.broadcast %shift_right_logical3A_238 : i32 to vector<16xi32>
        %shift_right_logical3A_240 = arith.shrui %get3A_234, %shift_right_logical3A_239 : vector<16xi32>
        %gather3A_241 = tpu.vector_load_idx %arg5[%and3A_237] : memref<32768xi32, #tpu.memory_space<vmem>>[vector<16xi32>], vector<16xi32>,
        %shift_right_logical3A_242 = arith.constant 22 : i32
        %shift_right_logical3A_243 = vector.broadcast %shift_right_logical3A_242 : i32 to vector<16xi32>
        %shift_right_logical3A_244 = arith.shrui %gather3A_241, %shift_right_logical3A_243 : vector<16xi32>
        %and3A_245 = arith.constant 1023 : i32
        %and3A_246 = vector.broadcast %and3A_245 : i32 to vector<16xi32>
        %and3A_247 = arith.andi %shift_right_logical3A_244, %and3A_246 : vector<16xi32>
        %shift_left3A_248 = arith.constant 15 : i32
        %shift_left3A_249 = vector.broadcast %shift_left3A_248 : i32 to vector<16xi32>
        %shift_left3A_250 = arith.shli %and3A_247, %shift_left3A_249 : vector<16xi32>
        %or3A_251 = arith.ori %and3A_237, %shift_left3A_250 : vector<16xi32>
        %gather3A_252 = tpu.vector_load_idx %arg9[%scan3A_222] : memref<2048xi32, #tpu.memory_space<vmem>>[vector<16xi32>], vector<16xi32>,
        %add3A_253 = arith.addi %gather3A_252, %unique3A_230 : vector<16xi32>
        %sub3A_254 = arith.constant 1 : i32
        %sub3A_255 = vector.broadcast %sub3A_254 : i32 to vector<16xi32>
        %sub3A_256 = arith.subi %add3A_253, %sub3A_255 : vector<16xi32>
        tpu.vector_store_idx %arg7[%sub3A_256], %scan3A_221 : memref<32768xi32, #tpu.memory_space<vmem>>[vector<16xi32>], vector<16xi32>,
        tpu.vector_store_idx %arg9[%scan3A_222], %unique3A_230 masked %unique3A_229 {add = true} : memref<2048xi32, #tpu.memory_space<vmem>>[vector<16xi32>], vector<16xi32>, vector<16xi1>
        scf.yield %or3A_251, %shift_right_logical3A_240 : vector<16xi32>, vector<16xi32>
      }
      %scan3A_159 = arith.constant 2047 : i32
      %broadcast_in_dim3A_160 = arith.constant true
      %broadcast_in_dim3A_161 = vector.broadcast %broadcast_in_dim3A_160 : i1 to vector<16xi1>
      %unique3A_162, %unique3A_163 = tpu.scan_count mask(%broadcast_in_dim3A_161 : vector<16xi1>) value(%scan3A_158#1 : vector<16xi32>) : vector<16xi1>, vector<16xi32>
      %gather3A_164 = tpu.vector_load_idx %arg9[%scan3A_158#1] : memref<2048xi32, #tpu.memory_space<vmem>>[vector<16xi32>], vector<16xi32>,
      %add3A_165 = arith.addi %gather3A_164, %unique3A_163 : vector<16xi32>
      %sub3A_166 = arith.constant 1 : i32
      %sub3A_167 = vector.broadcast %sub3A_166 : i32 to vector<16xi32>
      %sub3A_168 = arith.subi %add3A_165, %sub3A_167 : vector<16xi32>
      tpu.vector_store_idx %arg7[%sub3A_168], %scan3A_158#0 : memref<32768xi32, #tpu.memory_space<vmem>>[vector<16xi32>], vector<16xi32>,
      tpu.vector_store_idx %arg9[%scan3A_158#1], %unique3A_163 masked %unique3A_162 {add = true} : memref<2048xi32, #tpu.memory_space<vmem>>[vector<16xi32>], vector<16xi32>, vector<16xi1>
      %scan3A_169 = arith.constant 0 : i32
      %scan3A_170 = arith.constant 0 : i32
      %scan3A_171 = arith.constant 64 : i32
      %scan3A_172 = arith.addi %scan3A_170, %scan3A_171 : i32
      %scan3A_173 = arith.constant 1 : i32
      %scan3A_174 = scf.for %scan3A_220 = %scan3A_170 to %scan3A_172 step %scan3A_173 iter_args(%scan3A_221 = %scan3A_169) -> (i32)  : i32 {
        %mul3A_222 = arith.constant 16 : i32
        %mul3A_223 = arith.muli %scan3A_220, %mul3A_222 : i32
        %add3A_224 = arith.constant 0 : i32
        %add3A_225 = arith.addi %add3A_224, %mul3A_223 : i32
        %get3A_226 = arith.index_cast %add3A_225 : i32 to index
        %get3A_227 = tpu.vector_load %arg10[%get3A_226] {strides = array<i32>} : memref<1024xi32, #tpu.memory_space<vmem>>, vector<16xi32>,
        %broadcast_in_dim3A_228 = arith.constant true
        %broadcast_in_dim3A_229 = vector.broadcast %broadcast_in_dim3A_228 : i1 to vector<16xi1>
        %masked_cumsum3A = tpu.scan <sum>, %get3A_227 masked %broadcast_in_dim3A_229 : vector<16xi32>, vector<16xi1> -> vector<16xi32>
        %sub3A_230 = arith.subi %masked_cumsum3A, %get3A_227 : vector<16xi32>
        %add3A_231 = vector.broadcast %scan3A_221 : i32 to vector<16xi32>
        %add3A_232 = arith.addi %sub3A_230, %add3A_231 : vector<16xi32>
        %swap3A_233 = arith.index_cast %add3A_225 : i32 to index
        %swap3A_234 = tpu.vector_load %arg10[%swap3A_233] {strides = array<i32>} : memref<1024xi32, #tpu.memory_space<vmem>>, vector<16xi32>,
        tpu.vector_store %arg10[%swap3A_233], %add3A_232 {strides = array<i32>} : memref<1024xi32, #tpu.memory_space<vmem>>, vector<16xi32>,
        %reduce_sum3A = arith.constant true
        %reduce_sum3A_235 = vector.broadcast %reduce_sum3A : i1 to vector<16xi1>
        %reduce_sum3A_236 = tpu.scan <sum>, %get3A_227 masked %reduce_sum3A_235 : vector<16xi32>, vector<16xi1> -> vector<16xi32>
        %reduce_sum3A_237 = vector.extract %reduce_sum3A_236[15] : i32 from vector<16xi32>
        %add3A_238 = arith.addi %scan3A_221, %reduce_sum3A_237 : i32
        scf.yield %add3A_238 : i32
      }
      %scan3A_175 = arith.constant 64 : i32
      %get3A_176 = arith.constant 0 : index
      %get3A_177 = tpu.vector_load %arg7[%get3A_176] {strides = array<i32>} : memref<32768xi32, #tpu.memory_space<vmem>>, vector<16xi32>,
      %and3A_178 = arith.constant 32767 : i32
      %and3A_179 = vector.broadcast %and3A_178 : i32 to vector<16xi32>
      %and3A_180 = arith.andi %get3A_177, %and3A_179 : vector<16xi32>
      %shift_right_logical3A_181 = arith.constant 15 : i32
      %shift_right_logical3A_182 = vector.broadcast %shift_right_logical3A_181 : i32 to vector<16xi32>
      %shift_right_logical3A_183 = arith.shrui %get3A_177, %shift_right_logical3A_182 : vector<16xi32>
      %scan3A_184 = arith.constant 0 : i32
      %scan3A_185 = arith.constant 2047 : i32
      %scan3A_186 = arith.addi %scan3A_184, %scan3A_185 : i32
      %scan3A_187 = arith.constant 1 : i32
      %scan3A_188:2 = scf.for %scan3A_220 = %scan3A_184 to %scan3A_186 step %scan3A_187 iter_args(%scan3A_221 = %and3A_180, %scan3A_222 = %shift_right_logical3A_183) -> (vector<16xi32>, vector<16xi32>)  : i32 {
        %mul3A_223 = arith.constant 16 : i32
        %mul3A_224 = arith.muli %scan3A_220, %mul3A_223 : i32
        %add3A_225 = arith.constant 0 : i32
        %add3A_226 = arith.addi %add3A_225, %mul3A_224 : i32
        %broadcast_in_dim3A_227 = arith.constant true
        %broadcast_in_dim3A_228 = vector.broadcast %broadcast_in_dim3A_227 : i1 to vector<16xi1>
        %unique3A_229, %unique3A_230 = tpu.scan_count mask(%broadcast_in_dim3A_228 : vector<16xi1>) value(%scan3A_222 : vector<16xi32>) : vector<16xi1>, vector<16xi32>
        %add3A_231 = arith.constant 16 : i32
        %add3A_232 = arith.addi %add3A_226, %add3A_231 : i32
        %get3A_233 = arith.index_cast %add3A_232 : i32 to index
        %get3A_234 = tpu.vector_load %arg7[%get3A_233] {strides = array<i32>} : memref<32768xi32, #tpu.memory_space<vmem>>, vector<16xi32>,
        %and3A_235 = arith.constant 32767 : i32
        %and3A_236 = vector.broadcast %and3A_235 : i32 to vector<16xi32>
        %and3A_237 = arith.andi %get3A_234, %and3A_236 : vector<16xi32>
        %shift_right_logical3A_238 = arith.constant 15 : i32
        %shift_right_logical3A_239 = vector.broadcast %shift_right_logical3A_238 : i32 to vector<16xi32>
        %shift_right_logical3A_240 = arith.shrui %get3A_234, %shift_right_logical3A_239 : vector<16xi32>
        %gather3A_241 = tpu.vector_load_idx %arg10[%scan3A_222] : memref<1024xi32, #tpu.memory_space<vmem>>[vector<16xi32>], vector<16xi32>,
        %add3A_242 = arith.addi %gather3A_241, %unique3A_230 : vector<16xi32>
        %sub3A_243 = arith.constant 1 : i32
        %sub3A_244 = vector.broadcast %sub3A_243 : i32 to vector<16xi32>
        %sub3A_245 = arith.subi %add3A_242, %sub3A_244 : vector<16xi32>
        tpu.vector_store_idx %arg6[%sub3A_245], %scan3A_221 : memref<32768xi32, #tpu.memory_space<vmem>>[vector<16xi32>], vector<16xi32>,
        tpu.vector_store_idx %arg10[%scan3A_222], %unique3A_230 masked %unique3A_229 {add = true} : memref<1024xi32, #tpu.memory_space<vmem>>[vector<16xi32>], vector<16xi32>, vector<16xi1>
        scf.yield %and3A_237, %shift_right_logical3A_240 : vector<16xi32>, vector<16xi32>
      }
      %scan3A_189 = arith.constant 2047 : i32
      %broadcast_in_dim3A_190 = arith.constant true
      %broadcast_in_dim3A_191 = vector.broadcast %broadcast_in_dim3A_190 : i1 to vector<16xi1>
      %unique3A_192, %unique3A_193 = tpu.scan_count mask(%broadcast_in_dim3A_191 : vector<16xi1>) value(%scan3A_188#1 : vector<16xi32>) : vector<16xi1>, vector<16xi32>
      %gather3A_194 = tpu.vector_load_idx %arg10[%scan3A_188#1] : memref<1024xi32, #tpu.memory_space<vmem>>[vector<16xi32>], vector<16xi32>,
      %add3A_195 = arith.addi %gather3A_194, %unique3A_193 : vector<16xi32>
      %sub3A_196 = arith.constant 1 : i32
      %sub3A_197 = vector.broadcast %sub3A_196 : i32 to vector<16xi32>
      %sub3A_198 = arith.subi %add3A_195, %sub3A_197 : vector<16xi32>
      tpu.vector_store_idx %arg6[%sub3A_198], %scan3A_188#0 : memref<32768xi32, #tpu.memory_space<vmem>>[vector<16xi32>], vector<16xi32>,
      tpu.vector_store_idx %arg10[%scan3A_188#1], %unique3A_193 masked %unique3A_192 {add = true} : memref<1024xi32, #tpu.memory_space<vmem>>[vector<16xi32>], vector<16xi32>, vector<16xi1>
      %scan3A_199 = arith.constant 0 : i32
      %scan3A_200 = arith.constant 2048 : i32
      %scan3A_201 = arith.addi %scan3A_199, %scan3A_200 : i32
      %scan3A_202 = arith.constant 1 : i32
      scf.for %scan3A_220 = %scan3A_199 to %scan3A_201 step %scan3A_202  : i32 {
        %mul3A_221 = arith.constant 16 : i32
        %mul3A_222 = arith.muli %scan3A_220, %mul3A_221 : i32
        %add3A_223 = arith.constant 0 : i32
        %add3A_224 = arith.addi %add3A_223, %mul3A_222 : i32
        %get3A_225 = arith.index_cast %add3A_224 : i32 to index
        %get3A_226 = tpu.vector_load %arg6[%get3A_225] {strides = array<i32>} : memref<32768xi32, #tpu.memory_space<vmem>>, vector<16xi32>,
        %gather3A_227 = tpu.vector_load_idx %arg5[%get3A_226] : memref<32768xi32, #tpu.memory_space<vmem>>[vector<16xi32>], vector<16xi32>,
        %shift_right_arithmetic3A_228 = arith.constant 31 : i32
        %shift_right_arithmetic3A_229 = vector.broadcast %shift_right_arithmetic3A_228 : i32 to vector<16xi32>
        %shift_right_arithmetic3A_230 = arith.shrsi %gather3A_227, %shift_right_arithmetic3A_229 : vector<16xi32>
        %not3A = arith.constant dense<-1> : vector<16xi32>
        %not3A_231 = arith.xori %shift_right_arithmetic3A_230, %not3A : vector<16xi32>
        %or3A_232 = arith.constant -2147483648 : i32
        %or3A_233 = vector.broadcast %or3A_232 : i32 to vector<16xi32>
        %or3A_234 = arith.ori %not3A_231, %or3A_233 : vector<16xi32>
        %xor3A_235 = arith.xori %gather3A_227, %or3A_234 : vector<16xi32>
        %swap3A_236 = arith.index_cast %add3A_224 : i32 to index
        %swap3A_237 = tpu.vector_load %arg7[%swap3A_236] {strides = array<i32>} : memref<32768xi32, #tpu.memory_space<vmem>>, vector<16xi32>,
        tpu.vector_store %arg7[%swap3A_236], %xor3A_235 {strides = array<i32>} : memref<32768xi32, #tpu.memory_space<vmem>>, vector<16xi32>,
      }
      %scan3A_203 = arith.constant 2048 : i32
      %dma_start3A_204 = arith.constant 0 : i32
      %dma_start3A_205 = tpu.memref_slice %arg3[%add3A_31, %dma_start3A_204] : memref<128x32768xi32, #tpu.memory_space<hbm>> -> memref<1x32768xi32, #tpu.memory_space<hbm>>
      %dma_start3A_206 = tpu.memref_squeeze %dma_start3A_205 : memref<1x32768xi32, #tpu.memory_space<hbm>> -> memref<32768xi32, #tpu.memory_space<hbm>>
      %dma_start3A_207 = arith.constant 0 : i32
      %dma_start3A_208 = tpu.memref_slice %arg3[%add3A_31, %dma_start3A_207] : memref<128x32768xi32, #tpu.memory_space<hbm>> -> memref<1x32768xi32, #tpu.memory_space<hbm>>
      %dma_start3A_209 = tpu.memref_squeeze %dma_start3A_208 : memref<1x32768xi32, #tpu.memory_space<hbm>> -> memref<32768xi32, #tpu.memory_space<hbm>>
      tpu.enqueue_dma source(%arg7 : memref<32768xi32, #tpu.memory_space<vmem>>) target(%dma_start3A_209 : memref<32768xi32, #tpu.memory_space<hbm>>) target_semaphore(%arg12 : memref<!tpu.dma_semaphore, #tpu.memory_space<semaphore_mem>>)
      %dma_start3A_210 = arith.constant 0 : i32
      %dma_start3A_211 = tpu.memref_slice %arg4[%add3A_31, %dma_start3A_210] : memref<128x32768xi32, #tpu.memory_space<hbm>> -> memref<1x32768xi32, #tpu.memory_space<hbm>>
      %dma_start3A_212 = tpu.memref_squeeze %dma_start3A_211 : memref<1x32768xi32, #tpu.memory_space<hbm>> -> memref<32768xi32, #tpu.memory_space<hbm>>
      %dma_start3A_213 = arith.constant 0 : i32
      %dma_start3A_214 = tpu.memref_slice %arg4[%add3A_31, %dma_start3A_213] : memref<128x32768xi32, #tpu.memory_space<hbm>> -> memref<1x32768xi32, #tpu.memory_space<hbm>>
      %dma_start3A_215 = tpu.memref_squeeze %dma_start3A_214 : memref<1x32768xi32, #tpu.memory_space<hbm>> -> memref<32768xi32, #tpu.memory_space<hbm>>
      tpu.enqueue_dma source(%arg6 : memref<32768xi32, #tpu.memory_space<vmem>>) target(%dma_start3A_215 : memref<32768xi32, #tpu.memory_space<hbm>>) target_semaphore(%arg13 : memref<!tpu.dma_semaphore, #tpu.memory_space<semaphore_mem>>)
      %lt3A = arith.constant 3 : i32
      %lt3A_216 = arith.cmpi slt, %add3A_30, %lt3A : i32
      %convert_element_type3A_217 = arith.extui %lt3A_216 : i1 to i32
      %cond3A_218 = arith.constant 0 : i32
      %cond3A_219 = arith.cmpi ne, %convert_element_type3A_217, %cond3A_218 : i32
      scf.if %cond3A_219 {
        %add3A_220 = arith.constant 1 : i32
        %add3A_221 = arith.addi %add3A_31, %add3A_220 : i32
        %dma_start3A_222 = arith.constant 0 : i32
        %dma_start3A_223 = tpu.memref_slice %arg2[%add3A_221, %dma_start3A_222] : memref<128x32768xi32, #tpu.memory_space<hbm>> -> memref<1x32768xi32, #tpu.memory_space<hbm>>
        %dma_start3A_224 = tpu.memref_squeeze %dma_start3A_223 : memref<1x32768xi32, #tpu.memory_space<hbm>> -> memref<32768xi32, #tpu.memory_space<hbm>>
        %dma_start3A_225 = arith.constant 0 : i32
        %dma_start3A_226 = tpu.memref_slice %arg2[%add3A_221, %dma_start3A_225] : memref<128x32768xi32, #tpu.memory_space<hbm>> -> memref<1x32768xi32, #tpu.memory_space<hbm>>
        %dma_start3A_227 = tpu.memref_squeeze %dma_start3A_226 : memref<1x32768xi32, #tpu.memory_space<hbm>> -> memref<32768xi32, #tpu.memory_space<hbm>>
        tpu.enqueue_dma source(%dma_start3A_227 : memref<32768xi32, #tpu.memory_space<hbm>>) target(%arg5 : memref<32768xi32, #tpu.memory_space<vmem>>) target_semaphore(%arg11 : memref<!tpu.dma_semaphore, #tpu.memory_space<semaphore_mem>>)
      } else {
      }
    }
    %scan3A_11 = arith.constant 4 : i32
    %add3A_12 = arith.constant 4 : i32
    %add3A_13 = arith.addi %mul3A_2, %add3A_12 : i32
    %sub3A = arith.constant 1 : i32
    %sub3A_14 = arith.subi %add3A_13, %sub3A : i32
    %dma_wait3A = arith.constant 0 : i32
    %dma_wait3A_15 = tpu.memref_slice %arg3[%sub3A_14, %dma_wait3A] : memref<128x32768xi32, #tpu.memory_space<hbm>> -> memref<1x32768xi32, #tpu.memory_space<hbm>>
    %dma_wait3A_16 = tpu.memref_squeeze %dma_wait3A_15 : memref<1x32768xi32, #tpu.memory_space<hbm>> -> memref<32768xi32, #tpu.memory_space<hbm>>
    %dma_wait3A_17 = arith.constant 0 : i32
    %dma_wait3A_18 = tpu.memref_slice %arg3[%sub3A_14, %dma_wait3A_17] : memref<128x32768xi32, #tpu.memory_space<hbm>> -> memref<1x32768xi32, #tpu.memory_space<hbm>>
    %dma_wait3A_19 = tpu.memref_squeeze %dma_wait3A_18 : memref<1x32768xi32, #tpu.memory_space<hbm>> -> memref<32768xi32, #tpu.memory_space<hbm>>
    tpu.wait_dma2 semaphore(%arg12 : memref<!tpu.dma_semaphore, #tpu.memory_space<semaphore_mem>>) src(%arg7 : memref<32768xi32, #tpu.memory_space<vmem>>) dst(%dma_wait3A_19 : memref<32768xi32, #tpu.memory_space<hbm>>)
    %dma_wait3A_20 = arith.constant 0 : i32
    %dma_wait3A_21 = tpu.memref_slice %arg4[%sub3A_14, %dma_wait3A_20] : memref<128x32768xi32, #tpu.memory_space<hbm>> -> memref<1x32768xi32, #tpu.memory_space<hbm>>
    %dma_wait3A_22 = tpu.memref_squeeze %dma_wait3A_21 : memref<1x32768xi32, #tpu.memory_space<hbm>> -> memref<32768xi32, #tpu.memory_space<hbm>>
    %dma_wait3A_23 = arith.constant 0 : i32
    %dma_wait3A_24 = tpu.memref_slice %arg4[%sub3A_14, %dma_wait3A_23] : memref<128x32768xi32, #tpu.memory_space<hbm>> -> memref<1x32768xi32, #tpu.memory_space<hbm>>
    %dma_wait3A_25 = tpu.memref_squeeze %dma_wait3A_24 : memref<1x32768xi32, #tpu.memory_space<hbm>> -> memref<32768xi32, #tpu.memory_space<hbm>>
    tpu.wait_dma2 semaphore(%arg13 : memref<!tpu.dma_semaphore, #tpu.memory_space<semaphore_mem>>) src(%arg6 : memref<32768xi32, #tpu.memory_space<vmem>>) dst(%dma_wait3A_25 : memref<32768xi32, #tpu.memory_space<hbm>>)
    return
  }
}

</mosaic_0001>

<sc_bundles>
// kernel: kernel.3.cloned.1.call-start
scs
__scs_entry_jumppad:
0x0: {  	(pc) =	sbr.rel $0x88, $3  }
0x1: {  	(tag) =	ssettag $0x0;
	lr =	simm.s32 $0x1  }
0x2: {  	[smem:$0x3FA0] =	sst lr;
	_ =	strace $0xD0000000  }
0x3: {  	_ = 	snop  }
0x4: {  	_ = 	snop  }
0x5: {  	_ = 	snop  }
0x6: {  	_ = 	snop  }
0x7: {  	_ = 	snop  }
__scs_overlays_trampoline_lowered:
0x8: {  	[smem:$0x3FAF] =	sst s0  }
0x9: {  	[smem:$0x3FB0] =	sst s1  }
0xa: {  	[smem:$0x3FB1] =	sst s2  }
0xb: {  	[smem:$0x3FB2] =	sst s3  }
0xc: {  	[smem:$0x3FB3] =	sst s4  }
0xd: {  	[smem:$0x3FB4] =	sst s5  }
0xe: {  	[smem:$0x3FB5] =	sst s6  }
0xf: {  	[smem:$0x3FB6] =	sst s7  }
0x10: {  	[smem:$0x3FB7] =	sst s8  }
0x11: {  	[smem:$0x3FB8] =	sst s9;
	s0 =	simm.s32 @!p0 $0x0  }
0x12: {  	s1 =	sld [smem:$0x3F9E];
	s0 =	simm.s32 @p0 $0x1  }
0x13: {  	[smem:$0x3FB9] =	sst s0;
	s0 =	simm.s32 @!p1 $0x0  }
0x14: {  	s2 =	sld [smem:$0x3F9D];
	s0 =	simm.s32 @p1 $0x1  }
0x15: {  	[smem:$0x3FBA] =	sst s0;
	s0 =	simm.s32 @!p2 $0x0  }
0x16: {  	s3 =	sld [smem:$0x3FDB];
	s0 =	simm.s32 @p2 $0x1  }
0x17: {  	s4 =	simm.s32 $0x1BF5;
	[smem:$0x3FBC] =	sst s0  }
0x18: {  	s0 =	sld [smem:$0x3F9F];
	_ =	swait.ge [sflag:s4], $0x0  }
0x19: {  	s7 =	sld [smem:$0x3FA0]  }
0x1a: {  	s8 =	sadd.s32 $0xFFFFE003, lr  }
0x1b: {  	s9 =	sadd.s32 $0xFFFFFEF7, lr;
	s5 =	simm.s32 $0xFFFFFFFF;
	p2 =	slt.u32 s8, $0xFFFFF086  }
0x1c: {  	p1 =	slt.u32 s9, $0xF7A;
	s5 =	simm.s32 @!p2 $0x0  }
0x1d: {  	s5 =	simm.s32 @p1 $0x1;
	p0 =	seq.s32 s7, s2  }
0x1e: {  	s7 =	smul.u32 @!p0 $0xF7A, s2;
	p2 =	seq.s32 @!p0 s5, $0x0  }
0x1f: {  	s9 =	smul.u32 $0xF7A, s1;
	s8 =	simm.s32 @!p0 $0x1BF5;
	p2 =	por !p2, p0  }
0x20: {  	[sflag:s8] =	ssyncset.s32 @!p0 $0xFFFFF086;
	s6 =	sadd.s32 @!p0 s3, s7;
	s7 =	simm.s32 @!p0 $0x108  }
0x21: {  	s3 =	sadd.s32 s3, s9;
	s6 =	sadd.s32 @!p0 $0x88, s6;
	s7 =	simm.s32 @p2 $0x1082  }
0x22: {  	[simem:s7], [sflag:s8] =	dma.local @!p0 [hbm:s6], $0xF7A  }
0x23: {  	s9 =	sor.u32 $0xD0000000, s2;
	s6 =	simm.s32 $0x108;
	_ =	swait.ge @!p0 [sflag:s8], $0x0  }
0x24: {  	s3 =	sadd.s32 $0x88, s3;
	s6 =	simm.s32 @!p1 $0x1082;
	[sflag:s4] =	ssyncset.s32 $0xFFFFF086  }
0x25: {  	[simem:s6], [sflag:s4] =	dma.local [hbm:s3], $0xF7A  }
0x26: {  	[smem:$0x3FA0] =	sst s1;
	(tag) =	ssettag s2;
	_ =	strace s9  }
0x27: {  	s1 =	sld [smem:$0x3FB0]  }
0x28: {  	s2 =	sld [smem:$0x3FB1]  }
0x29: {  	s4 =	sld [smem:$0x3FB3]  }
0x2a: {  	p0 =	seq.s32 s5, $0x0;
	s5 =	sld [smem:$0x3FB4]  }
0x2b: {  	s6 =	sld [smem:$0x3FB5]  }
0x2c: {  	s7 =	sld [smem:$0x3FB6]  }
0x2d: {  	s3 =	simm.s32 $0x108;
	s8 =	sld [smem:$0x3FB7]  }
0x2e: {  	s3 =	simm.s32 @!p0 $0x1082;
	s9 =	sld [smem:$0x3FB8]  }
0x2f: {  	lr =	sadd.s32 s0, s3;
	s0 =	sld [smem:$0x3FAF]  }
0x30: {  	s3 =	sld [smem:$0x3FB2]  }
0x31: {  	[smem:$0x3FBB] =	sst s10  }
0x32: {  	s10 =	sld [smem:$0x3FB9];
	_ =	sdelay $0x3  }
0x33: {  	p0 =	seq.s32 s10, $0x1;
	s10 =	sld [smem:$0x3FBB];
	_ =	sdelay $0x3  }
0x34: {  	[smem:$0x3FBB] =	sst s10  }
0x35: {  	s10 =	sld [smem:$0x3FBA];
	_ =	sdelay $0x3  }
0x36: {  	p1 =	seq.s32 s10, $0x1;
	s10 =	sld [smem:$0x3FBB];
	_ =	sdelay $0x3  }
0x37: {  	[smem:$0x3FBB] =	sst s10  }
0x38: {  	s10 =	sld [smem:$0x3FBC]  }
0x39: {  	_ = 	snop;
	(pc) =	sbr.ind lr, $3  }
0x3a: {  	_ = 	snop  }
0x3b: {  	_ = 	snop  }
0x3c: {  	p2 =	seq.s32 s10, $0x1;
	s10 =	sld [smem:$0x3FBB]  }
0x3d: {  	_ =	shalt  }
0x3e: {  	_ =	shalt  }
0x3f: {  	_ =	shalt  }
0x40: {  	_ =	shalt  }
0x41: {  	_ =	shalt  }
0x42: {  	_ =	shalt  }
0x43: {  	_ =	shalt  }
0x44: {  	_ =	shalt  }
0x45: {  	_ =	shalt  }
0x46: {  	_ =	shalt  }
0x47: {  	_ =	shalt  }
0x48: {  	_ =	shalt  }
0x49: {  	_ =	shalt  }
0x4a: {  	_ =	shalt  }
0x4b: {  	_ =	shalt  }
0x4c: {  	_ =	shalt  }
0x4d: {  	_ =	shalt  }
0x4e: {  	_ =	shalt  }
0x4f: {  	_ =	shalt  }
0x50: {  	_ =	shalt  }
0x51: {  	_ =	shalt  }
0x52: {  	_ =	shalt  }
0x53: {  	_ =	shalt  }
0x54: {  	_ =	shalt  }
0x55: {  	_ =	shalt  }
0x56: {  	_ =	shalt  }
0x57: {  	_ =	shalt  }
0x58: {  	_ =	shalt  }
0x59: {  	_ =	shalt  }
0x5a: {  	_ =	shalt  }
0x5b: {  	_ =	shalt  }
0x5c: {  	_ =	shalt  }
0x5d: {  	_ =	shalt  }
0x5e: {  	_ =	shalt  }
0x5f: {  	_ =	shalt  }
0x60: {  	_ =	shalt  }
0x61: {  	_ =	shalt  }
0x62: {  	_ =	shalt  }
0x63: {  	_ =	shalt  }
0x64: {  	_ =	shalt  }
0x65: {  	_ =	shalt  }
0x66: {  	_ =	shalt  }
0x67: {  	_ =	shalt  }
0x68: {  	_ =	shalt  }
0x69: {  	_ =	shalt  }
0x6a: {  	_ =	shalt  }
0x6b: {  	_ =	shalt  }
0x6c: {  	_ =	shalt  }
0x6d: {  	_ =	shalt  }
0x6e: {  	_ =	shalt  }
0x6f: {  	_ =	shalt  }
0x70: {  	_ =	shalt  }
0x71: {  	_ =	shalt  }
0x72: {  	_ =	shalt  }
0x73: {  	_ =	shalt  }
0x74: {  	_ =	shalt  }
0x75: {  	_ =	shalt  }
0x76: {  	_ =	shalt  }
0x77: {  	_ =	shalt  }
0x78: {  	_ =	shalt  }
0x79: {  	_ =	shalt  }
0x7a: {  	_ =	shalt  }
0x7b: {  	_ =	shalt  }
0x7c: {  	_ =	shalt  }
0x7d: {  	_ =	shalt  }
0x7e: {  	_ =	shalt  }
0x7f: {  	_ =	shalt  }
0x80: {  	_ =	shalt  }
0x81: {  	_ =	shalt  }
0x82: {  	_ =	shalt  }
0x83: {  	_ =	shalt  }
0x84: {  	_ =	shalt  }
0x85: {  	_ =	shalt  }
0x86: {  	_ =	shalt  }
0x87: {  	_ =	shalt  }
.Lfunc_end0:
.L_simem_size_0:
called_computation_lowered:
.L_overlay_start_0:
0x88: {  	s2 =	sld [smem:$0x3FD9]  }
0x89: {  	s3 =	sld [smem:$0x3FFE];
	_ =	sdelay $0x1  }
0x8a: {  	s1 =	srdreg.scid  }
0x8b: {  	s0 =	sand.u32 $0x1, s1  }
0x8c: {  	s14 =	sshll.u32 s0, $0xA;
	s2 =	sadd.s32 s3, s2  }
0x8d: {  	s2 =	sadd.s32 s2, s14  }
0x8e: {  	[smem:$0x3FC7] =	sst s2  }
0x8f: {  	_ = 	snop  }
0x90: {  	s2 =	sld [smem:$0x3FD0];
	_ =	sdelay $0x2  }
0x91: {  	s15 =	simm.s32 $0xA;
	s4 =	simm.s32 $0x10  }
0x92: {  	[smem:s4], [sflag:s15] =	dma.local [hbm:s2], $0x1  }
0x93: {  	_ =	swait.eq [sflag:s15], $0x1  }
0x94: {  	[sflag:s15] =	ssyncset.done $0x0  }
0x95: {  	s16 =	sld [smem:$0x10];
	[sflag:s15] =	ssyncadd.s32 $0xFFFFFFFF  }
0x96: {  	s17 =	sld [smem:$0x11];
	(tm) =	ssettm $0x1  }
0x97: {  	s18 =	sld [smem:$0x3FFB];
	_ =	sdelay $0x3  }
0x98: {  	_ =	strace s18  }
0x99: {  	s4 =	sld [smem:$0x3FFC];
	_ =	sdelay $0x3  }
0x9a: {  	_ =	strace s4  }
0x9b: {  	s4 =	sld [smem:$0x3FFD];
	_ =	sdelay $0x3  }
0x9c: {  	_ =	strace s4  }
0x9d: {  	_ =	strace $0x8FFFFFFF  }
0x9e: {  	s19 =	sld [smem:$0x3FDB];
	_ =	sdelay $0x1  }
0x9f: {  	s5 =	simm.s32 $_scs_section_size  }
0xa0: {  	s6 =	simm.s32 $_size__tile_overlayer_lowered;
	s7 =	simm.s32 $_tile_overlayer_lowered  }
0xa1: {  	s22 =	simm.s32 $0x1BFF;
	s21 =	sshll.u32 s7, $0x1;
	s4 =	sadd.s32 s5, s19  }
0xa2: {  	s8 =	simm.s32 $0x0;
	s20 =	sshll.u32 s6, $0x1;
	s6 =	sadd.s32 s21, s4  }
0xa3: {  	[timem:s8], [sflag:s22] =	dma.local [hbm:s6], s20  }
0xa4: {  	_ =	swait.ge [sflag:s22], s20  }
0xa5: {  	s5 =	ssub.s32 $0x0, s20;
	[sflag:s22] =	ssyncset.done $0x0  }
0xa6: {  	[sflag:s22] =	ssyncadd.s32 s5;
	_ =	sdelay $0x1  }
0xa7: {  	s23 =	simm.s32 $0x1B8B  }
0xa8: {  	_ =	swait.ge [sflag:s23], $0x1  }
0xa9: {  	[sflag:s23] =	ssyncset.done $0x0  }
0xaa: {  	s25 =	simm.s32 $0x1B8E;
	s24 =	sld [smem:$0x3FFE];
	[sflag:s23] =	ssyncadd.s32 $0xFFFFFFFF  }
0xab: {  	s26 =	simm.s32 $execute0_lowered;
	[smem:$0x3FD2] =	sst s25  }
0xac: {  	s6 =	sshll.u32 s26, $0x1;
	_ =	strace $0x80000046;
	[dreg:$0x1] =	wrdreg $0xFFFFFFFF  }
0xad: {  	s28 =	simm.s32 $_size_execute0_lowered;
	s4 =	sadd.s32 s4, s6;
	[dreg:$0x0] =	wrdreg $0x0  }
0xae: {  	s6 =	sshll.u32 s28, $0x1;
	[dreg:$0x2] =	wrdreg s4  }
0xaf: {  	[dreg:$0x3] =	wrdreg s6  }
0xb0: {  	[dreg:$0x4] =	wrdreg $0xC0  }
0xb1: {  	_ =	task [dreg:s8], $0x5FFFF  }
0xb2: {  	[dreg:$0x1] =	wrdreg $0xFFFFFFFF  }
0xb3: {  	[dreg:$0x0] =	wrdreg $0x60  }
0xb4: {  	[dreg:$0x2] =	wrdreg s16  }
0xb5: {  	[dreg:$0x3] =	wrdreg s24  }
0xb6: {  	[dreg:$0x4] =	wrdreg s17  }
0xb7: {  	[dreg:$0x5] =	wrdreg $0x9  }
0xb8: {  	_ =	task.clear_ibuf [dreg:s8], $0x6FFFF;
	_ =	strace $0x90000046  }
0xb9: {  	s29 =	simm.s32 $0x9;
	_ =	strace $0x80000048  }
0xba: {  	_ =	swait.ge [sflag:s29], $0x1  }
0xbb: {  	[sflag:s29] =	ssyncadd.s32 $0xFFFFFFFF  }
0xbc: {  	_ =	strace $0x90000048  }
0xbd: {  	_ =	sfence  }
0xbe: {  	s30 =	sld [smem:$0x0];
	_ =	sdelay $0x2  }
0xbf: {  	s31 =	sshll.u32 s1, $0xD;
	s1 =	sshrl.u32 s1, $0x2  }
0xc0: {  	s3 =	sand.u32 $0x4000, s31;
	s1 =	sadd.s32 s1, s30  }
0xc1: {  	s0 =	sor.u32 s3, s0;
	s1 =	sshll.u32 s1, $0x11  }
0xc2: {  	s0 =	sor.u32 s1, s0  }
0xc3: {  	s0 =	sadd.s32 $0x8F2B, s0  }
0xc4: {  	[sflag:s0] =	ssyncadd.remote.s32 $0x1  }
0xc5: {  	_ =	sfence.sel $0xFFFF  }
0xc6: {  	[dreg:$0x0] =	wrdreg $0xFFFFFFFF;
	(pc) =	sbr.abs _section_cstart, $3  }
0xc7: {  	[dreg:$0x1] =	wrdreg $0xFFFFFFFF  }
0xc8: {  	_ =	task.clear_ibuf [dreg:s8], $0x2FFFF;
	_ =	strace $0x9FFFFFFF  }
0xc9: {  	(tm) =	ssettm $0x7FFFFFFF  }
tec
execute0_lowered:
.L_overlay_start_1:
0x0: {  	(tag) =	ssettag $0x1  }
0x1: {  	s1 =	rddreg [dreg:$0x0]  }
0x2: {  	s4 =	rddreg [dreg:$0x1]  }
0x3: {  	s2 =	rddreg [dreg:$0x2]  }
0x4: {  	s0 =	rddreg [dreg:$0x3]  }
0x5: {  	s3 =	simm.s32 $0x0;
	s5 =	srdreg.scid;
	s13 =	simm.s32 $0x18000  }
0x6: {  	s14 =	simm.s32 $0x18800;
	s15 =	simm.s32 $0x19000;
	s16 =	simm.s32 $0x8000  }
0x7: {  	s17 =	simm.s32 $0x10000;
	s18 =	simm.s32 $0x2;
	s19 =	simm.s32 $0x3  }
0x8: {  	s20 =	simm.s32 $0x0;
	[smem:$0x7FF] =	sst s3;
	s6 =	sand.u32 $0x1, s5  }
0x9: {  	s5 =	sadd.s32 $0x800, s4;
	s4 =	stileid.u32;
	_ =	strace $0x80000047  }
.Ltmp0:
0xa: {  	s7 =	ssub.s32 $0x2, s6;
	s9 =	sshll.u32 s4, $0x3;
	(pc) =	sbr.rel .LBB2_1-.Ltmp0, $4  }
0xb: {  	s10 =	sshll.u32 s6, $0x6;
	s11 =	sshll.u32 s6, $0x2;
	s8 =	sshrl.u32 s7, $0x1  }
0xc: {  	s6 =	sshll.u32 s4, $0xF;
	s10 =	sadd.s32 s1, s10;
	s12 =	ssub.s32 s7, s8  }
0xd: {  	s7 =	sor.u32 s11, s9;
	s8 =	sadd.s32 s6, s10;
	s10 =	simm.s32 $0x80  }
0xe: {  	v0 =	vimm.s32 $0x0;
	v1 =	vlaneseq.u32;
	v2 =	vimm.s32 $0x80000000;
	s11 =	simm.s32 $0x400;
	s9 =	smax.u32 s12, $0x1;
	s12 =	simm.s32 $0x1  }
.LBB2_24:
0xf: {  	s20 =	sadd.s32 $0x1, s20  }
0x10: {  	_ =	swait.ge [sflag:s18], $0x8000;
	p0 =	sne.s32 s20, s9  }
.Ltmp1:
0x11: {  	[sflag:s18] =	ssyncset.done $0x0;
	(pc) =	sbr.rel @!p0 .LBB2_25-.Ltmp1, $4  }
0x12: {  	[sflag:s18] =	ssyncadd.s32 $0xFFFF8000  }
0x13: {  	_ =	swait.ge [sflag:s19], $0x8000  }
0x14: {  	[sflag:s19] =	ssyncset.done $0x0  }
0x15: {  	[sflag:s19] =	ssyncadd.s32 $0xFFFF8000  }
.LBB2_1:
0x16: {  	[tilespmem:s3], [sflag:$0x1] =	stream.strided.gather [hbm4b:s8+s10], $0x8000, s11, s10, $0x38;
	[tilespmem:$0x19400] =	vst v63  }
0x17: {  	s21 =	simm.s32 $0x0  }
.LBB2_2:
0x18: {  	s22 =	simm.s32 $0x40;
	s23 =	simm.s32 $0x0  }
.LBB2_3:
0x19: {  	p0 =	sne.s32 s22, $0x1FC0;
	[tilespmem:s23+$0x18000] =	vst v0;
	s24 =	smov.u32 s22;
	s22 =	sadd.s32 $0x40, s22  }
.Ltmp2:
0x1a: {  	[tilespmem:s23+$0x18800] =	vst v0;
	(pc) =	sbr.rel @p0 .LBB2_3-.Ltmp2, $2  }
0x1b: {  	_ =	sdelay $0x2  }
0x1c: {  	s23 =	sshra.s32 s24, $0x2  }
0x1d: {  	[tilespmem:s23+$0x18000] =	vst v0  }
0x1e: {  	[tilespmem:s23+$0x18800] =	vst v0;
	s22 =	simm.s32 $0x40;
	s23 =	simm.s32 $0x0  }
.LBB2_5:
0x1f: {  	p0 =	sne.s32 s22, $0xFC0;
	[tilespmem:s23+$0x19000] =	vst v0;
	s23 =	smov.u32 s22;
	s22 =	sadd.s32 $0x40, s22  }
.Ltmp3:
0x20: {  	(pc) =	sbr.rel @p0 .LBB2_5-.Ltmp3, $2  }
0x21: {  	_ =	sdelay $0x2  }
0x22: {  	s23 =	sshra.s32 s23, $0x2  }
0x23: {  	[tilespmem:s23+$0x19000] =	vst v0  }
0x24: {  	_ =	swait.ge [sflag:s12], $0x8000  }
0x25: {  	[sflag:s12] =	ssyncset.done $0x0  }
0x26: {  	[sflag:s12] =	ssyncadd.s32 $0xFFFF8000  }
0x27: {  	v3 =	vld [tilespmem:$0x0];
	_ =	sdelay $0x4  }
0x28: {  	v4 =	vshra.s32 v3, $0x1F  }
0x29: {  	v4 =	vor.u32 $0x80000000, v4  }
0x2a: {  	v3 =	vxor.u32 v3, v4  }
0x2b: {  	v7 =	vand.u32 $0x7FF, v3  }
0x2c: {  	(xrf1) =	vunique.msk.u32 $0xffff, v7;
	_ =	sdelay $0x2  }
0x2d: {  	v4 =	vshrl.u32 v3, $0xB  }
0x2e: {  	v8 =	vand.u32 $0x7FF, v4  }
0x2f: {  	v5 =	vshrl.u32 v3, $0x16;
	(xrf1) =	vunique.msk.u32 $0xffff, v8  }
0x30: {  	(xrf1) =	vunique.msk.u32 $0xffff, v5;
	_ =	sdelay $0x3  }
0x31: {  	s22 =	simm.s32 $0x10;
	[tilespmem:$0x0] =	vst v3  }
0x32: {  	v3 =	vld [tilespmem:s22+$0x0];
	_ =	sdelay $0x2  }
0x33: {  	_, v9, vm0 =	vpop (xrf1);
	_ =	sdelay $0x1  }
0x34: {  	v4 =	vshra.s32 v3, $0x1F  }
0x35: {  	v4 =	vor.u32 $0x80000000, v4  }
0x36: {  	v6 =	vxor.u32 v3, v4  }
0x37: {  	v4 =	vshrl.u32 v6, $0xB;
	v3 =	vand.u32 $0x7FF, v6;
	[tilespmem:s22+$0x0] =	vst v6;
	_, v10, vm1 =	vpop (xrf1)  }
0x38: {  	v4 =	vand.u32 $0x7FF, v4;
	(xrf1) =	vunique.msk.u32 $0xffff, v3;
	[tilespmem:v7+s13+$0x0] =	vst.idx.add.s32.msk vm0, v9;
	_, v7, vm0 =	vpop (xrf1)  }
0x39: {  	v6 =	vshrl.u32 v6, $0x16;
	(xrf1) =	vunique.msk.u32 $0xffff, v4  }
0x3a: {  	(xrf1) =	vunique.msk.u32 $0xffff, v6;
	_ =	sdelay $0x2  }
0x3b: {  	s23 =	simm.s32 $0xC0;
	s22 =	simm.s32 $0x20;
	[tilespmem:v8+s14+$0x0] =	vst.idx.add.s32.msk vm1, v10  }
.LBB2_7:
0x3c: {  	s24 =	sshra.s32 s23, $0x2;
	p0 =	sne.s32 s23, $0x1FFC0;
	s23 =	sadd.s32 $0x40, s23;
	[tilespmem:v5+s15+$0x0] =	vst.idx.add.s32.msk vm0, v7;
	v5 =	vmov v6  }
0x3d: {  	v6 =	vld [tilespmem:s22+$0x0];
	_ =	sdelay $0x4  }
0x3e: {  	v7 =	vshra.s32 v6, $0x1F  }
0x3f: {  	v14 =	vor.u32 $0x80000000, v7  }
0x40: {  	v8 =	vxor.u32 v6, v14;
	_, v9, vm1 =	vpop (xrf1)  }
0x41: {  	v6 =	vshrl.u32 v8, $0x16;
	v13 =	vshrl.u32 v8, $0xB;
	v10 =	vand.u32 $0x7FF, v8;
	_, v11, vm2 =	vpop (xrf1)  }
0x42: {  	(xrf1) =	vunique.msk.u32 $0xffff, v10;
	v12 =	vand.u32 $0x7FF, v13;
	_, v7, vm0 =	vpop (xrf1)  }
.Ltmp4:
0x43: {  	(xrf1) =	vunique.msk.u32 $0xffff, v12;
	(pc) =	sbr.rel @p0 .LBB2_7-.Ltmp4, $4  }
0x44: {  	(xrf1) =	vunique.msk.u32 $0xffff, v6  }
0x45: {  	[tilespmem:s22+$0x0] =	vst v8;
	s22 =	smov.u32 s24  }
0x46: {  	[tilespmem:v3+s13+$0x0] =	vst.idx.add.s32.msk vm1, v9;
	v3 =	vmov v10  }
0x47: {  	[tilespmem:v4+s14+$0x0] =	vst.idx.add.s32.msk vm2, v11;
	v4 =	vmov v12  }
0x48: {  	_ =	sdelay $0x4  }
0x49: {  	[tilespmem:v5+s15+$0x0] =	vst.idx.add.s32.msk vm0, v7  }
0x4a: {  	v5 =	vld [tilespmem:s22+$0x0];
	_ =	sdelay $0x4  }
0x4b: {  	v61 =	vshra.s32 v5, $0x1F  }
0x4c: {  	v7 =	vor.u32 $0x80000000, v61  }
0x4d: {  	v5 =	vxor.u32 v5, v7  }
0x4e: {  	v7 =	vshrl.u32 v5, $0xB;
	v8 =	vand.u32 $0x7FF, v5  }
0x4f: {  	v7 =	vand.u32 $0x7FF, v7;
	(xrf1) =	vunique.msk.u32 $0xffff, v8  }
0x50: {  	v9 =	vshrl.u32 v5, $0x16;
	(xrf1) =	vunique.msk.u32 $0xffff, v7  }
0x51: {  	(xrf1) =	vunique.msk.u32 $0xffff, v9;
	_ =	sdelay $0x8  }
0x52: {  	_, v10, vm15 =	vpop (xrf1)  }
0x53: {  	_, v11, vm1 =	vpop (xrf1)  }
0x54: {  	_, v12, vm2 =	vpop (xrf1)  }
0x55: {  	_, v13, vm3 =	vpop (xrf1)  }
0x56: {  	_, v14, vm4 =	vpop (xrf1)  }
0x57: {  	[tilespmem:s22+$0x0] =	vst v5;
	_, v62, vm5 =	vpop (xrf1)  }
0x58: {  	[tilespmem:v3+s13+$0x0] =	vst.idx.add.s32.msk vm15, v10  }
0x59: {  	[tilespmem:v4+s14+$0x0] =	vst.idx.add.s32.msk vm1, v11  }
0x5a: {  	[tilespmem:v6+s15+$0x0] =	vst.idx.add.s32.msk vm2, v12  }
0x5b: {  	[tilespmem:v8+s13+$0x0] =	vst.idx.add.s32.msk vm3, v13  }
0x5c: {  	p0 =	seq.s32 s21, $0x0;
	[tilespmem:v7+s14+$0x0] =	vst.idx.add.s32.msk vm4, v14  }
0x5d: {  	s22 =	simm.s32 @!p0 $0x3;
	[tilespmem:v9+s15+$0x0] =	vst.idx.add.s32.msk vm5, v62  }
0x5e: {  	_ =	swait.ge @!p0 [sflag:s22], $0x8000  }
0x5f: {  	[sflag:s22] =	ssyncset.done @!p0 $0x0  }
0x60: {  	s28 =	simm.s32 $0x0;
	[sflag:s22] =	ssyncadd.s32 @!p0 $0xFFFF8000  }
0x61: {  	v3 =	vld [tilespmem:s28+$0x18000];
	_ =	sdelay $0x4  }
0x62: {  	(xrf0) =	vadd.scan.msk.s32 $0xffff, v3;
	_ =	sdelay $0x5  }
0x63: {  	v63, _, _ =	vpop (xrf0)  }
0x64: {  	s24 =	simm.s32 $0x0;
	s22 =	sadd.s32 s7, s21;
	(v2sf) =	vpush v63, $0xF  }
0x65: {  	s23 =	sshll.u32 s22, $0x4;
	v3 =	vsub.s32 s24, v3  }
0x66: {  	s23 =	sand.u32 $0x70, s23;
	v3 =	vadd.s32 v63, v3  }
0x67: {  	s25 =	simm.s32 $0x10;
	s26 =	simm.s32 $0x80;
	s23 =	sor.u32 s6, s23;
	[tilespmem:s28+$0x18000] =	vst v3  }
.LBB2_9:
0x68: {  	p1 =	sne.s32 s26, $0x1FC0;
	v3 =	vld [tilespmem:s25+$0x18000];
	_ =	sdelay $0x4  }
0x69: {  	(xrf0) =	vadd.scan.msk.s32 $0xffff, v3;
	_ =	sdelay $0x5  }
.Ltmp5:
0x6a: {  	v4, _, _ =	vpop (xrf0);
	s28 =	spop (v2sf);
	(pc) =	sbr.rel @p1 .LBB2_9-.Ltmp5, $4  }
0x6b: {  	(v2sf) =	vpush v4, $0xF;
	s24 =	sadd.s32 s24, s28  }
0x6c: {  	v3 =	vsub.s32 s24, v3  }
0x6d: {  	v3 =	vadd.s32 v4, v3  }
0x6e: {  	[tilespmem:s25+$0x18000] =	vst v3;
	s25 =	sshra.s32 s26, $0x2;
	s26 =	sadd.s32 $0x40, s26  }
0x6f: {  	_ =	sdelay $0x1  }
0x70: {  	v3 =	vld [tilespmem:s25+$0x18000];
	_ =	sdelay $0x4  }
0x71: {  	(xrf0) =	vadd.scan.msk.s32 $0xffff, v3;
	_ =	sdelay $0x3  }
0x72: {  	s26 =	spop (v2sf)  }
0x73: {  	s24 =	sadd.s32 s24, s26  }
0x74: {  	v4, _, _ =	vpop (xrf0);
	v3 =	vsub.s32 s24, v3  }
0x75: {  	v3 =	vadd.s32 v4, v3  }
0x76: {  	[tilespmem:s25+$0x18000] =	vst v3  }
0x77: {  	v5 =	vld [tilespmem:$0x0];
	_ =	sdelay $0x4  }
0x78: {  	v3 =	vand.u32 $0x7FF, v5  }
0x79: {  	(xrf1) =	vunique.msk.u32 $0xffff, v3;
	_ =	sdelay $0x7  }
0x7a: {  	(v2sf) =	vpush v4, $0xF;
	_ =	sdelay $0x1  }
0x7b: {  	s25 =	simm.s32 $0x10;
	v4 =	vld.idx.msk [tilespmem:v3+s13+$0x0], $0xffff  }
0x7c: {  	v7 =	vld [tilespmem:s25+$0x0];
	_ =	sdelay $0x2  }
0x7d: {  	_, v6, vm0 =	vpop (xrf1)  }
0x7e: {  	v4 =	vadd.s32 v4, v6  }
0x7f: {  	v8 =	vadd.s32 $0xFFFFFFFF, v4;
	v4 =	vshll.u32 v5, $0x4;
	v5 =	vshll.u32 v7, $0x4  }
0x80: {  	v9 =	vand.u32 $0x3FF8000, v5;
	v5 =	vand.u32 $0x7FF, v7  }
0x81: {  	(xrf1) =	vunique.msk.u32 $0xffff, v5;
	_ =	sdelay $0x2  }
0x82: {  	v4 =	vand.u32 $0x3FF8000, v4  }
0x83: {  	v10 =	vor.u32 v1, v4;
	v4 =	vor.u32 s25, v9  }
0x84: {  	s26 =	simm.s32 $0x30;
	s24 =	simm.s32 $0x20;
	s31 =	spop (v2sf);
	v4 =	vor.u32 v1, v4;
	[tilespmem:v8+s16+$0x0] =	vst.idx.msk $0xffff, v10  }
.LBB2_11:
0x85: {  	p1 =	sne.s32 s26, $0x7FF0  }
0x86: {  	[tilespmem:v3+s13+$0x0] =	vst.idx.add.s32.msk vm0, v6;
	s25 =	sadd.s32 $0x10, s25;
	v3 =	vmov v5;
	s28 =	smov.u32 s26;
	s26 =	sadd.s32 $0x10, s26  }
0x87: {  	v7 =	vld.idx.msk [tilespmem:v5+s13+$0x0], $0xffff  }
0x88: {  	v5 =	vld [tilespmem:s25+$0x0];
	_ =	sdelay $0x4  }
0x89: {  	v8 =	vshll.u32 v5, $0x4;
	v5 =	vand.u32 $0x7FF, v5;
	_, v6, vm0 =	vpop (xrf1)  }
0x8a: {  	(xrf1) =	vunique.msk.u32 $0xffff, v5;
	v8 =	vand.u32 $0x3FF8000, v8;
	v7 =	vadd.s32 v7, v6  }
0x8b: {  	v8 =	vor.u32 s24, v8;
	v7 =	vadd.s32 $0xFFFFFFFF, v7;
	s24 =	smov.u32 s28  }
.Ltmp6:
0x8c: {  	v8 =	vor.u32 v1, v8;
	(pc) =	sbr.rel @p1 .LBB2_11-.Ltmp6, $2  }
0x8d: {  	_ =	sdelay $0x2  }
0x8e: {  	[tilespmem:v7+s16+$0x0] =	vst.idx.msk $0xffff, v4;
	v4 =	vmov v8  }
0x8f: {  	_ =	sdelay $0x4  }
0x90: {  	[tilespmem:v3+s13+$0x0] =	vst.idx.add.s32.msk vm0, v6;
	s25 =	sadd.s32 $0x10, s25  }
0x91: {  	v3 =	vld [tilespmem:s25+$0x0];
	_ =	sdelay $0x2  }
0x92: {  	v6 =	vld.idx.msk [tilespmem:v5+s13+$0x0], $0xffff;
	_ =	sdelay $0x1  }
0x93: {  	v7 =	vand.u32 $0x7FF, v3  }
0x94: {  	(xrf1) =	vunique.msk.u32 $0xffff, v7  }
0x95: {  	_, v8, vm15 =	vpop (xrf1)  }
0x96: {  	v6 =	vadd.s32 v6, v8  }
0x97: {  	v6 =	vadd.s32 $0xFFFFFFFF, v6;
	_ =	sdelay $0x4  }
0x98: {  	[tilespmem:v6+s16+$0x0] =	vst.idx.msk $0xffff, v4  }
0x99: {  	[tilespmem:v5+s13+$0x0] =	vst.idx.add.s32.msk vm15, v8  }
0x9a: {  	v4 =	vld.idx.msk [tilespmem:v7+s13+$0x0], $0xffff;
	_ =	sdelay $0x3  }
0x9b: {  	_, v5, vm0 =	vpop (xrf1)  }
0x9c: {  	v4 =	vadd.s32 v4, v5  }
0x9d: {  	v4 =	vadd.s32 $0xFFFFFFFF, v4  }
0x9e: {  	v3 =	vshll.u32 v3, $0x4  }
0x9f: {  	v3 =	vand.u32 $0x3FF8000, v3  }
0xa0: {  	v3 =	vor.u32 s24, v3  }
0xa1: {  	v3 =	vor.u32 v1, v3  }
0xa2: {  	[tilespmem:v4+s16+$0x0] =	vst.idx.msk $0xffff, v3  }
0xa3: {  	s24 =	simm.s32 @!p0 $0x2;
	[tilespmem:v7+s13+$0x0] =	vst.idx.add.s32.msk vm0, v5  }
0xa4: {  	_ =	swait.ge @!p0 [sflag:s24], $0x8000  }
0xa5: {  	[sflag:s24] =	ssyncset.done @!p0 $0x0  }
0xa6: {  	s28 =	simm.s32 $0x0;
	[sflag:s24] =	ssyncadd.s32 @!p0 $0xFFFF8000  }
0xa7: {  	v3 =	vld [tilespmem:s28+$0x18800];
	_ =	sdelay $0x4  }
0xa8: {  	(xrf0) =	vadd.scan.msk.s32 $0xffff, v3;
	_ =	sdelay $0x5  }
0xa9: {  	v63, _, _ =	vpop (xrf0)  }
0xaa: {  	s24 =	simm.s32 $0x0;
	(v2sf) =	vpush v63, $0xF  }
0xab: {  	v3 =	vsub.s32 s24, v3  }
0xac: {  	v3 =	vadd.s32 v63, v3  }
0xad: {  	s26 =	simm.s32 $0x80;
	s25 =	simm.s32 $0x10;
	[tilespmem:s28+$0x18800] =	vst v3  }
.LBB2_13:
0xae: {  	p0 =	sne.s32 s26, $0x1FC0;
	v3 =	vld [tilespmem:s25+$0x18800];
	_ =	sdelay $0x4  }
0xaf: {  	(xrf0) =	vadd.scan.msk.s32 $0xffff, v3;
	_ =	sdelay $0x5  }
.Ltmp7:
0xb0: {  	v4, _, _ =	vpop (xrf0);
	s28 =	spop (v2sf);
	(pc) =	sbr.rel @p0 .LBB2_13-.Ltmp7, $4  }
0xb1: {  	(v2sf) =	vpush v4, $0xF;
	s24 =	sadd.s32 s24, s28  }
0xb2: {  	v3 =	vsub.s32 s24, v3  }
0xb3: {  	v3 =	vadd.s32 v4, v3  }
0xb4: {  	[tilespmem:s25+$0x18800] =	vst v3;
	s25 =	sshra.s32 s26, $0x2;
	s26 =	sadd.s32 $0x40, s26  }
0xb5: {  	_ =	sdelay $0x1  }
0xb6: {  	v3 =	vld [tilespmem:s25+$0x18800];
	_ =	sdelay $0x4  }
0xb7: {  	(xrf0) =	vadd.scan.msk.s32 $0xffff, v3;
	_ =	sdelay $0x3  }
0xb8: {  	s26 =	spop (v2sf)  }
0xb9: {  	s24 =	sadd.s32 s24, s26  }
0xba: {  	v5, _, _ =	vpop (xrf0);
	v3 =	vsub.s32 s24, v3  }
0xbb: {  	v3 =	vadd.s32 v5, v3  }
0xbc: {  	[tilespmem:s25+$0x18800] =	vst v3  }
0xbd: {  	v3 =	vld [tilespmem:$0x8000];
	_ =	sdelay $0x4  }
0xbe: {  	v4 =	vshrl.u32 v3, $0xF  }
0xbf: {  	(xrf1) =	vunique.msk.u32 $0xffff, v4;
	_ =	sdelay $0x5  }
0xc0: {  	(v2sf) =	vpush v5, $0xF;
	_ =	sdelay $0x1  }
0xc1: {  	v5 =	vand.u32 $0x7FFF, v3;
	_ =	sdelay $0x1  }
0xc2: {  	s30 =	simm.s32 $0x10;
	v3 =	vld.idx.msk [tilespmem:v4+s14+$0x0], $0xffff  }
0xc3: {  	v6 =	vld [tilespmem:s30+$0x8000];
	_ =	sdelay $0x1  }
0xc4: {  	v8 =	vld.idx.msk [tilespmem:v5+s3+$0x0], $0xffff  }
0xc5: {  	_, v7, vm0 =	vpop (xrf1)  }
0xc6: {  	v9 =	vadd.s32 v3, v7  }
0xc7: {  	v3 =	vand.u32 $0x7FFF, v6;
	v9 =	vadd.s32 $0xFFFFFFFF, v9;
	_ =	sdelay $0x1  }
0xc8: {  	v8 =	vshrl.u32 v8, $0x7  }
0xc9: {  	v8 =	vand.u32 $0x1FF8000, v8;
	v6 =	vshrl.u32 v6, $0xF  }
0xca: {  	v8 =	vor.u32 v5, v8;
	(xrf1) =	vunique.msk.u32 $0xffff, v6  }
0xcb: {  	s24 =	simm.s32 $0x80;
	s25 =	simm.s32 $0xC0;
	s31 =	spop (v2sf);
	v5 =	vld.idx.msk [tilespmem:v3+s3+$0x0], $0xffff;
	[tilespmem:v9+s17+$0x0] =	vst.idx.msk $0xffff, v8  }
.LBB2_15:
0xcc: {  	p0 =	sne.s32 s25, $0x1FFC0;
	[tilespmem:v4+s14+$0x0] =	vst.idx.add.s32.msk vm0, v7;
	v4 =	vmov v6  }
0xcd: {  	v6 =	vld.idx.msk [tilespmem:v6+s14+$0x0], $0xffff;
	_ =	sdelay $0x6  }
0xce: {  	s26 =	sshra.s32 s24, $0x2;
	s24 =	smov.u32 s25  }
0xcf: {  	v8 =	vld [tilespmem:s26+$0x8000];
	_ =	sdelay $0x2  }
0xd0: {  	_, v7, vm0 =	vpop (xrf1)  }
0xd1: {  	v6 =	vadd.s32 v6, v7  }
0xd2: {  	v9 =	vand.u32 $0x7FFF, v8;
	v10 =	vadd.s32 $0xFFFFFFFF, v6;
	v6 =	vshrl.u32 v8, $0xF  }
.Ltmp8:
0xd3: {  	(pc) =	sbr.rel @p0 .LBB2_15-.Ltmp8, $4  }
0xd4: {  	v5 =	vshrl.u32 v5, $0x7  }
0xd5: {  	v5 =	vand.u32 $0x1FF8000, v5  }
0xd6: {  	v8 =	vor.u32 v3, v5;
	v3 =	vmov v9;
	(xrf1) =	vunique.msk.u32 $0xffff, v6  }
0xd7: {  	s25 =	sadd.s32 $0x40, s25;
	v5 =	vld.idx.msk [tilespmem:v9+s3+$0x0], $0xffff;
	[tilespmem:v10+s17+$0x0] =	vst.idx.msk $0xffff, v8  }
0xd8: {  	_ =	sdelay $0x4  }
0xd9: {  	[tilespmem:v4+s14+$0x0] =	vst.idx.add.s32.msk vm0, v7;
	s24 =	sshra.s32 s24, $0x2  }
0xda: {  	v4 =	vld [tilespmem:s24+$0x8000];
	_ =	sdelay $0x2  }
0xdb: {  	v7 =	vld.idx.msk [tilespmem:v6+s14+$0x0], $0xffff;
	_ =	sdelay $0x1  }
0xdc: {  	v8 =	vshrl.u32 v4, $0xF  }
0xdd: {  	(xrf1) =	vunique.msk.u32 $0xffff, v8  }
0xde: {  	_, v9, vm15 =	vpop (xrf1)  }
0xdf: {  	v7 =	vadd.s32 v7, v9  }
0xe0: {  	v4 =	vand.u32 $0x7FFF, v4;
	v7 =	vadd.s32 $0xFFFFFFFF, v7;
	_ =	sdelay $0x1  }
0xe1: {  	v5 =	vshrl.u32 v5, $0x7  }
0xe2: {  	v5 =	vand.u32 $0x1FF8000, v5  }
0xe3: {  	v3 =	vor.u32 v3, v5  }
0xe4: {  	v62 =	vld.idx.msk [tilespmem:v4+s3+$0x0], $0xffff;
	[tilespmem:v7+s17+$0x0] =	vst.idx.msk $0xffff, v3  }
0xe5: {  	[tilespmem:v6+s14+$0x0] =	vst.idx.add.s32.msk vm15, v9  }
0xe6: {  	v3 =	vld.idx.msk [tilespmem:v8+s14+$0x0], $0xffff;
	_ =	sdelay $0x3  }
0xe7: {  	_, v6, vm0 =	vpop (xrf1)  }
0xe8: {  	v3 =	vadd.s32 v3, v6  }
0xe9: {  	v3 =	vadd.s32 $0xFFFFFFFF, v3;
	_ =	sdelay $0x1  }
0xea: {  	v5 =	vshrl.u32 v62, $0x7  }
0xeb: {  	v5 =	vand.u32 $0x1FF8000, v5  }
0xec: {  	v4 =	vor.u32 v4, v5  }
0xed: {  	[tilespmem:v3+s17+$0x0] =	vst.idx.msk $0xffff, v4  }
0xee: {  	s28 =	simm.s32 $0x0;
	[tilespmem:v8+s14+$0x0] =	vst.idx.add.s32.msk vm0, v6  }
0xef: {  	v3 =	vld [tilespmem:s28+$0x19000];
	_ =	sdelay $0x4  }
0xf0: {  	(xrf0) =	vadd.scan.msk.s32 $0xffff, v3;
	_ =	sdelay $0x5  }
0xf1: {  	v63, _, _ =	vpop (xrf0)  }
0xf2: {  	s24 =	simm.s32 $0x0;
	(v2sf) =	vpush v63, $0xF  }
0xf3: {  	v3 =	vsub.s32 s24, v3  }
0xf4: {  	v3 =	vadd.s32 v63, v3  }
0xf5: {  	s25 =	simm.s32 $0x10;
	s26 =	simm.s32 $0x80;
	[tilespmem:s28+$0x19000] =	vst v3  }
.LBB2_17:
0xf6: {  	p0 =	sne.s32 s26, $0xFC0;
	v3 =	vld [tilespmem:s25+$0x19000];
	_ =	sdelay $0x4  }
0xf7: {  	(xrf0) =	vadd.scan.msk.s32 $0xffff, v3;
	_ =	sdelay $0x5  }
.Ltmp9:
0xf8: {  	v4, _, _ =	vpop (xrf0);
	s28 =	spop (v2sf);
	(pc) =	sbr.rel @p0 .LBB2_17-.Ltmp9, $4  }
0xf9: {  	(v2sf) =	vpush v4, $0xF;
	s24 =	sadd.s32 s24, s28  }
0xfa: {  	v3 =	vsub.s32 s24, v3  }
0xfb: {  	v3 =	vadd.s32 v4, v3  }
0xfc: {  	[tilespmem:s25+$0x19000] =	vst v3;
	s25 =	sshra.s32 s26, $0x2;
	s26 =	sadd.s32 $0x40, s26  }
0xfd: {  	_ =	sdelay $0x1  }
0xfe: {  	v3 =	vld [tilespmem:s25+$0x19000];
	_ =	sdelay $0x4  }
0xff: {  	(xrf0) =	vadd.scan.msk.s32 $0xffff, v3;
	_ =	sdelay $0x3  }
0x100: {  	s26 =	spop (v2sf)  }
0x101: {  	s24 =	sadd.s32 s24, s26  }
0x102: {  	v4, _, _ =	vpop (xrf0);
	v3 =	vsub.s32 s24, v3  }
0x103: {  	v3 =	vadd.s32 v4, v3  }
0x104: {  	[tilespmem:s25+$0x19000] =	vst v3  }
0x105: {  	v5 =	vld [tilespmem:$0x10000];
	_ =	sdelay $0x4  }
0x106: {  	v3 =	vshrl.u32 v5, $0xF  }
0x107: {  	(xrf1) =	vunique.msk.u32 $0xffff, v3;
	_ =	sdelay $0x5  }
0x108: {  	(v2sf) =	vpush v4, $0xF;
	_ =	sdelay $0x1  }
0x109: {  	s30 =	simm.s32 $0x10  }
0x10a: {  	v7 =	vld [tilespmem:s30+$0x10000]  }
0x10b: {  	v4 =	vld.idx.msk [tilespmem:v3+s15+$0x0], $0xffff;
	_ =	sdelay $0x3  }
0x10c: {  	v9 =	vand.u32 $0x7FFF, v5;
	v5 =	vshrl.u32 v7, $0xF;
	_, v6, vm0 =	vpop (xrf1)  }
0x10d: {  	(xrf1) =	vunique.msk.u32 $0xffff, v5;
	v4 =	vadd.s32 v4, v6  }
0x10e: {  	v8 =	vadd.s32 $0xFFFFFFFF, v4;
	_ =	sdelay $0x4  }
0x10f: {  	s24 =	simm.s32 $0x80;
	s25 =	simm.s32 $0xC0;
	s31 =	spop (v2sf);
	v4 =	vand.u32 $0x7FFF, v7;
	[tilespmem:v8+s16+$0x0] =	vst.idx.msk $0xffff, v9  }
.LBB2_19:
0x110: {  	p0 =	sne.s32 s25, $0x1FFC0;
	[tilespmem:v3+s15+$0x0] =	vst.idx.add.s32.msk vm0, v6;
	v3 =	vmov v5;
	s26 =	smov.u32 s25;
	s25 =	sadd.s32 $0x40, s25  }
0x111: {  	s28 =	sshra.s32 s24, $0x2;
	v7 =	vld.idx.msk [tilespmem:v5+s15+$0x0], $0xffff;
	s24 =	smov.u32 s26  }
0x112: {  	v6 =	vld [tilespmem:s28+$0x10000];
	_ =	sdelay $0x4  }
0x113: {  	v5 =	vshrl.u32 v6, $0xF;
	v8 =	vand.u32 $0x7FFF, v6;
	_, v6, vm0 =	vpop (xrf1)  }
0x114: {  	(xrf1) =	vunique.msk.u32 $0xffff, v5;
	v7 =	vadd.s32 v7, v6  }
0x115: {  	v7 =	vadd.s32 $0xFFFFFFFF, v7  }
.Ltmp10:
0x116: {  	(pc) =	sbr.rel @p0 .LBB2_19-.Ltmp10, $2  }
0x117: {  	_ =	sdelay $0x2  }
0x118: {  	[tilespmem:v7+s16+$0x0] =	vst.idx.msk $0xffff, v4;
	v4 =	vmov v8  }
0x119: {  	_ =	sdelay $0x4  }
0x11a: {  	[tilespmem:v3+s15+$0x0] =	vst.idx.add.s32.msk vm0, v6;
	s24 =	sshra.s32 s24, $0x2  }
0x11b: {  	v3 =	vld [tilespmem:s24+$0x10000];
	_ =	sdelay $0x2  }
0x11c: {  	v6 =	vld.idx.msk [tilespmem:v5+s15+$0x0], $0xffff;
	_ =	sdelay $0x1  }
0x11d: {  	v7 =	vshrl.u32 v3, $0xF  }
0x11e: {  	(xrf1) =	vunique.msk.u32 $0xffff, v7  }
0x11f: {  	_, v8, vm15 =	vpop (xrf1)  }
0x120: {  	v6 =	vadd.s32 v6, v8  }
0x121: {  	v6 =	vadd.s32 $0xFFFFFFFF, v6;
	_ =	sdelay $0x4  }
0x122: {  	[tilespmem:v6+s16+$0x0] =	vst.idx.msk $0xffff, v4  }
0x123: {  	[tilespmem:v5+s15+$0x0] =	vst.idx.add.s32.msk vm15, v8  }
0x124: {  	v4 =	vld.idx.msk [tilespmem:v7+s15+$0x0], $0xffff;
	_ =	sdelay $0x3  }
0x125: {  	_, v5, vm0 =	vpop (xrf1)  }
0x126: {  	v4 =	vadd.s32 v4, v5  }
0x127: {  	v4 =	vadd.s32 $0xFFFFFFFF, v4;
	_ =	sdelay $0x3  }
0x128: {  	v3 =	vand.u32 $0x7FFF, v3  }
0x129: {  	[tilespmem:v4+s16+$0x0] =	vst.idx.msk $0xffff, v3  }
0x12a: {  	s24 =	simm.s32 $0x0;
	[tilespmem:v7+s15+$0x0] =	vst.idx.add.s32.msk vm0, v5  }
0x12b: {  	v3 =	vld [tilespmem:s24+$0x8000];
	_ =	sdelay $0x7  }
0x12c: {  	s25 =	simm.s32 $0x10;
	s26 =	simm.s32 $0x80;
	v3 =	vld.idx.msk [tilespmem:v3+s3+$0x0], $0xffff  }
.LBB2_21:
0x12d: {  	p0 =	sne.s32 s26, $0x1FFC0;
	v4 =	vld [tilespmem:s25+$0x8000];
	_ =	sdelay $0x3  }
0x12e: {  	vm0 =	vgt.s32 v3, $0xFFFFFFFF  }
.Ltmp11:
0x12f: {  	v5 =	vsel vm0, $0xFFFFFFFF, v2;
	(pc) =	sbr.rel @p0 .LBB2_21-.Ltmp11, $4  }
0x130: {  	v3 =	vxor.u32 v3, v5  }
0x131: {  	[tilespmem:s24+$0x10000] =	vst v3;
	s24 =	smov.u32 s25  }
0x132: {  	v3 =	vld.idx.msk [tilespmem:v4+s3+$0x0], $0xffff  }
0x133: {  	s25 =	sshra.s32 s26, $0x2;
	s26 =	sadd.s32 $0x40, s26  }
0x134: {  	v4 =	vld [tilespmem:s25+$0x8000];
	_ =	sdelay $0x3  }
0x135: {  	vm0 =	vgt.s32 v3, $0xFFFFFFFF  }
0x136: {  	v5 =	vsel vm0, $0xFFFFFFFF, v2  }
0x137: {  	v3 =	vxor.u32 v3, v5  }
0x138: {  	[tilespmem:s24+$0x10000] =	vst v3  }
0x139: {  	v3 =	vld.idx.msk [tilespmem:v4+s3+$0x0], $0xffff;
	_ =	sdelay $0x4  }
0x13a: {  	vm15 =	vgt.s32 v3, $0xFFFFFFFF  }
0x13b: {  	p0 =	seq.s32 s21, $0x3;
	v63 =	vsel vm15, $0xFFFFFFFF, v2  }
.Ltmp12:
0x13c: {  	v3 =	vxor.u32 v3, v63;
	(pc) =	sbr.rel @p0 .LBB2_24-.Ltmp12, $4  }
0x13d: {  	s30 =	sadd.s32 s5, s23;
	[tilespmem:s25+$0x10000] =	vst v3  }
0x13e: {  	[hbm4b:s30+s10] =	stream.strided.scatter [tilespmem:s17], [sflag:$0x2], $0x8000, s11, s10, $0x38;
	[tilespmem:$0x19400] =	vst v63  }
0x13f: {  	s31 =	sadd.s32 s2, s23  }
0x140: {  	[hbm4b:s31+s10] =	stream.strided.scatter [tilespmem:s16], [sflag:$0x3], $0x8000, s11, s10, $0x38;
	[tilespmem:$0x19400] =	vst v63  }
0x141: {  	s22 =	sadd.s32 $0x1, s22  }
.Ltmp13:
0x142: {  	s23 =	sshll.u32 s22, $0x4;
	(pc) =	sbr.rel .LBB2_2-.Ltmp13, $4  }
0x143: {  	s22 =	sshll.u32 s22, $0xC;
	s23 =	sand.u32 $0x70, s23  }
0x144: {  	s22 =	sand.u32 $0xFFF8000, s22;
	s23 =	sadd.s32 s1, s23  }
0x145: {  	s21 =	sadd.s32 $0x1, s21;
	s22 =	sadd.s32 s22, s23  }
0x146: {  	[tilespmem:s3], [sflag:$0x1] =	stream.strided.gather [hbm4b:s22+s10], $0x8000, s11, s10, $0x38;
	[tilespmem:$0x19400] =	vst v63  }
.LBB2_25:
0x147: {  	_ =	sfence.sel $0x180000  }
0x148: {  	[bflag:$0x0] =	sbarrier.arrive $0xFFFF  }
0x149: {  	p0 =	sne.s32 s4, $0x0;
	_ =	strace $0x90000047  }
0x14a: {  	s0 =	sadd.s32 @!p0 $0x100000, s0;
	[bflag:$0x2] =	sbarrier.arrive $0xFFFF  }
0x14b: {  	[sflag:s0] =	ssyncadd.tile.s32 @!p0 $0x1;
	_ =	shalt  }
.Lfunc_end2:
_tile_overlayer_lowered:
.L_overlay_start_2:
0x14c: {  	(tag) =	ssettag $0x2  }
0x14d: {  	s0 =	rddreg [dreg:$0x0];
	s2 =	stileid.u32  }
0x14e: {  	s1 =	rddreg [dreg:$0x1];
	p0 =	sne.s32 s2, $0x0  }
0x14f: {  	s3 =	rddreg [dreg:$0x2];
	[bflag:$0x3] =	sbarrier.arrive $0xFFFF;
	s2 =	simm.s32 @!p0 $0x1C04  }
0x150: {  	[timem:s3], [sflag:s2] =	dma.local @!p0 [hbm:s0], s1  }
0x151: {  	s0 =	simm.s32 @!p0 $0x4  }
0x152: {  	_ =	swait.ge @!p0 [sflag:s0], s1  }
0x153: {  	s1 =	ssub.s32 @!p0 $0x0, s1;
	[sflag:s0] =	ssyncset.done @!p0 $0x0  }
0x154: {  	[sflag:s0] =	ssyncadd.s32 @!p0 s1  }
0x155: {  	[bflag:$0x3] =	sbarrier.arrive $0xFFFF  }
0x156: {  	_ =	shalt  }

</sc_bundles>
